<compile_context>
chip_gen: v7x
topology: tpu7x:2x2x1
jax: 0.10.2.dev20260603
libtpu: 0.0.44.dev20260713+nightly
codegen_flags: <defaults>
</compile_context>

<pallas_src>
import functools
import numpy as np
import jax
import jax.numpy as jnp
from jax.experimental import pallas as pl
from jax.experimental.pallas import tpu as pltpu

_IMG_H = 640.0
_IMG_W = 640.0
_STRIDES = (8, 16, 32)
_SCORE_THR = 0.001
_IOU_THR = 0.65
_MAX_DET = 200
_NUM_CANDS = 2048
_NUM_CLASSES = 80


def _anchors_np():
    grids = []
    strl = []
    for stride in _STRIDES:
        h = int(_IMG_H) // stride
        w = int(_IMG_W) // stride
        yv, xv = np.meshgrid(np.arange(h), np.arange(w), indexing='ij')
        grid = np.stack((xv, yv), 2).reshape(-1, 2)
        grids.append(grid)
        strl.append(np.full((grid.shape[0], 1), stride))
    s = np.concatenate(strl, 0).astype(np.float32)
    off = s * np.concatenate(grids, 0).astype(np.float32)
    xc = off[:, 0:1]
    yc = off[:, 1:2]
    return np.concatenate(
        [(2 * yc - s) / 2, (2 * xc - s) / 2, (2 * yc + s) / 2, (2 * xc + s) / 2], -1)


def _nms_kernel(ty, tx, th, tw, ay1, ax1, ay2, ax2, lab_f, sc,
                oy1, ox1, oy2, ox2, osc, olab):
    B, K = sc.shape

    a_h = ay2[...] - ay1[...]
    a_w = ax2[...] - ax1[...]
    a_yc = ay1[...] + 0.5 * a_h
    a_xc = ax1[...] + 0.5 * a_w
    yc = ty[...] * a_h + a_yc
    xc = tx[...] * a_w + a_xc
    hh = jnp.exp(th[...]) * a_h
    ww = jnp.exp(tw[...]) * a_w
    y1 = jnp.clip(yc - 0.5 * hh, 0.0, _IMG_H)
    x1 = jnp.clip(xc - 0.5 * ww, 0.0, _IMG_W)
    y2 = jnp.clip(yc + 0.5 * hh, 0.0, _IMG_H)
    x2 = jnp.clip(xc + 0.5 * ww, 0.0, _IMG_W)

    lab = lab_f[...]
    off = lab * 1e4
    Y1 = y1 + off
    X1 = x1 + off
    Y2 = y2 + off
    X2 = x2 + off
    areas = (Y2 - Y1) * (X2 - X1)

    iota_k = jax.lax.broadcasted_iota(jnp.int32, (B, K), 1)
    iota_o = jax.lax.broadcasted_iota(jnp.int32, (1, 256), 1)

    def body(i, state):
        rem, ay1a, ax1a, ay2a, ax2a, asca, alaba = state
        v = jnp.max(rem, axis=1, keepdims=True)
        pos = jnp.where(rem == v, iota_k, K)
        jmin = jnp.min(pos, axis=1, keepdims=True)
        onehot = (iota_k == jmin).astype(jnp.float32)

        s_y1 = jnp.sum(y1 * onehot, axis=1, keepdims=True)
        s_x1 = jnp.sum(x1 * onehot, axis=1, keepdims=True)
        s_y2 = jnp.sum(y2 * onehot, axis=1, keepdims=True)
        s_x2 = jnp.sum(x2 * onehot, axis=1, keepdims=True)
        s_lab = jnp.sum(lab * onehot, axis=1, keepdims=True)

        s_off = s_lab * 1e4
        SY1 = s_y1 + s_off
        SX1 = s_x1 + s_off
        SY2 = s_y2 + s_off
        SX2 = s_x2 + s_off
        s_area = (SY2 - SY1) * (SX2 - SX1)

        iy1 = jnp.maximum(SY1, Y1)
        ix1 = jnp.maximum(SX1, X1)
        iy2 = jnp.minimum(SY2, Y2)
        ix2 = jnp.minimum(SX2, X2)
        inter = jnp.clip(iy2 - iy1, 0.0) * jnp.clip(ix2 - ix1, 0.0)
        union = s_area + areas - inter
        iou = inter / jnp.maximum(union, 1e-9)
        rem = jnp.where(jnp.logical_or(iou > _IOU_THR, iota_k == jmin), -1.0, rem)

        valid = (v > 0.0).astype(jnp.float32)
        lane = (iota_o == i).astype(jnp.float32)
        ay1a = ay1a + (valid * s_y1) * lane
        ax1a = ax1a + (valid * s_x1) * lane
        ay2a = ay2a + (valid * s_y2) * lane
        ax2a = ax2a + (valid * s_x2) * lane
        asca = asca + (valid * v) * lane
        alaba = alaba + (valid * s_lab) * lane
        return rem, ay1a, ax1a, ay2a, ax2a, asca, alaba

    z = jnp.zeros((B, 256), jnp.float32)
    state = (sc[...], z, z, z, z, z, z)
    state = jax.lax.fori_loop(0, _MAX_DET, body, state)
    _, ay1a, ax1a, ay2a, ax2a, asca, alaba = state
    oy1[...] = ay1a
    ox1[...] = ax1a
    oy2[...] = ay2a
    ox2[...] = ax2a
    osc[...] = asca
    olab[...] = alaba


_ROWS = 5280
_NFLAT = 8400 * _NUM_CLASSES
_THR_BITS = int(np.float32(_SCORE_THR).view(np.int32))
_ONE_BITS = int(np.float32(1.0).view(np.int32))
_BIG = np.int32(2 ** 30)


def _select_kernel(x_ref, sc_ref, idx_ref, midx_ref):
    r_iota = jax.lax.broadcasted_iota(jnp.int32, (_ROWS, 128), 0)
    c_iota = jax.lax.broadcasted_iota(jnp.int32, (_ROWS, 128), 1)
    gidx = r_iota * 128 + c_iota

    def bis_body(_, st):
        lo, hi, c_hi = st
        mid = (lo + hi) // 2
        t = jax.lax.bitcast_convert_type(mid, jnp.float32)
        c = jnp.sum((x_ref[0] >= t).astype(jnp.int32), keepdims=True)[:, :1]
        ge = c >= _NUM_CANDS
        lo = jnp.where(ge, mid, lo)
        hi = jnp.where(ge, hi, mid)
        c_hi = jnp.where(ge, c_hi, c)
        return lo, hi, c_hi

    lo0 = jnp.full((1, 1), _THR_BITS, jnp.int32)
    hi0 = jnp.full((1, 1), _ONE_BITS, jnp.int32)
    lo, hi, n_gt = jax.lax.fori_loop(
        0, 27, bis_body, (lo0, hi0, jnp.zeros((1, 1), jnp.int32)))
    v = jax.lax.bitcast_convert_type(lo, jnp.float32)
    n_take = _NUM_CANDS - n_gt

    tie_idx = jnp.where(x_ref[0] == v, gidx, _BIG)
    tiemin = jnp.min(tie_idx, keepdims=True)[:, :1]

    def cut_bisect():
        def body(_, st):
            clo, chi = st
            m = (clo + chi) // 2
            g = jnp.sum((tie_idx <= m).astype(jnp.int32), keepdims=True)[:, :1]
            ge = g >= n_take
            chi = jnp.where(ge, m, chi)
            clo = jnp.where(ge, clo, m)
            return clo, chi
        clo, chi = jax.lax.fori_loop(
            0, 20, body,
            (jnp.full((1, 1), -1, jnp.int32),
             jnp.full((1, 1), _NFLAT - 1, jnp.int32)))
        return chi

    idx_cut = jax.lax.cond(n_take[0, 0] > 1, cut_bisect, lambda: tiemin)

    x0 = x_ref[0]
    member = jnp.logical_or(x0 > v, jnp.logical_and(x0 == v, gidx <= idx_cut))
    midx_ref[...] = jnp.where(member, gidx, _BIG)

    sc_ref[0, :, :] = jnp.full((_NUM_CANDS, 128), -1.0, jnp.float32)
    idx_ref[0, :, :] = jnp.zeros((_NUM_CANDS, 128), jnp.int32)

    def chunk_body(k, n):
        mi = midx_ref[pl.ds(k * 32, 32), :]
        xc = x_ref[0, pl.ds(k * 32, 32), :]
        cnt = jnp.sum((mi < _BIG).astype(jnp.int32))

        def extract(_, st):
            n2, mi2 = st
            m = jnp.min(mi2, keepdims=True)[:, :1]
            one = mi2 == m
            val = jnp.sum(jnp.where(one, xc, 0.0), keepdims=True)[:, :1]
            sc_ref[0, pl.ds(n2, 1), :] = jnp.broadcast_to(val, (1, 128))
            idx_ref[0, pl.ds(n2, 1), :] = jnp.broadcast_to(m, (1, 128))
            mi2 = jnp.where(one, _BIG, mi2)
            return n2 + 1, mi2

        n, _ = jax.lax.fori_loop(0, cnt, extract, (n, mi))
        return n

    jax.lax.fori_loop(0, _ROWS // 32, chunk_body, jnp.int32(0))


def kernel(boxes, scores):
    B = boxes.shape[0]
    anchors = jnp.asarray(_anchors_np())

    flat = scores.reshape(B, -1)
    flat_p = jnp.pad(flat, ((0, 0), (0, _ROWS * 128 - _NFLAT)),
                     constant_values=-1.0).reshape(B, _ROWS, 128)
    top_scores, cand_idx = pl.pallas_call(
        _select_kernel,
        grid=(B,),
        in_specs=[pl.BlockSpec((1, _ROWS, 128), lambda b: (b, 0, 0))],
        out_specs=[pl.BlockSpec((1, _NUM_CANDS, 128), lambda b: (b, 0, 0))] * 2,
        out_shape=[
            jax.ShapeDtypeStruct((B, _NUM_CANDS, 128), jnp.float32),
            jax.ShapeDtypeStruct((B, _NUM_CANDS, 128), jnp.int32),
        ],
        scratch_shapes=[pltpu.VMEM((_ROWS, 128), jnp.int32)],
    )(flat_p)
    top_scores = top_scores[:, :, 0]
    cand_idx = cand_idx[:, :, 0]
    box_idx = cand_idx // _NUM_CLASSES
    labels = cand_idx % _NUM_CLASSES

    rel = jnp.take_along_axis(boxes, box_idx[..., None], axis=1)
    anc = jnp.take_along_axis(anchors[None], box_idx[..., None], axis=1)

    args = (
        rel[..., 0], rel[..., 1], rel[..., 2], rel[..., 3],
        anc[..., 0], anc[..., 1], anc[..., 2], anc[..., 3],
        labels.astype(jnp.float32), top_scores,
    )
    outs = pl.pallas_call(
        _nms_kernel,
        out_shape=[jax.ShapeDtypeStruct((B, 256), jnp.float32)] * 6,
    )(*args)
    oy1, ox1, oy2, ox2, osc, olab = outs
    out_boxes = jnp.stack(
        [oy1[:, :_MAX_DET], ox1[:, :_MAX_DET], oy2[:, :_MAX_DET], ox2[:, :_MAX_DET]],
        axis=-1)
    out_scores = osc[:, :_MAX_DET]
    out_labels = olab[:, :_MAX_DET].astype(jnp.int32)
    return out_boxes, out_scores, out_labels

# --- scband reference (transcript-rebuilt; emitter-appended) ---
"""Pipeline reference for scband-yoloxpost-process-2568390443247 (READ-ONLY COPY).

The authoritative reference and input builder live on the scoring server;
editing this copy changes nothing except your own understanding.
"""

import jax, jax.numpy as jnp
import numpy as np

IMG_SIZE = (640, 640)
STRIDES = (8, 16, 32)
SCORE_THR = 0.001
IOU_THR = 0.65
MAX_DET = 200
NUM_CANDS = 2048


def make_anchors():
    grids = []
    strl = []
    for stride in STRIDES:
        h = IMG_SIZE[0] // stride
        w = IMG_SIZE[1] // stride
        yv, xv = np.meshgrid(np.arange(h), np.arange(w), indexing='ij')
        grid = np.stack((xv, yv), 2).reshape(-1, 2)
        grids.append(grid)
        strl.append(np.full((grid.shape[0], 1), stride))
    s = np.concatenate(strl, 0).astype(np.float32)
    off = s * np.concatenate(grids, 0).astype(np.float32)
    xc = off[:, 0:1]
    yc = off[:, 1:2]
    anchors = np.concatenate([(2 * yc - s) / 2, (2 * xc - s) / 2, (2 * yc + s) / 2, (2 * xc + s) / 2], -1)
    return jnp.asarray(anchors)


def box_decode(rel, anchors):
    # FasterRCNNBoxDecode with scale_factors [1,1,1,1], clip_window [0,0,H,W]
    a_ymin, a_xmin, a_ymax, a_xmax = jnp.split(anchors, 4, axis=-1)  # [N,1]
    a_h = a_ymax - a_ymin
    a_w = a_xmax - a_xmin
    a_yc = a_ymin + 0.5 * a_h
    a_xc = a_xmin + 0.5 * a_w
    ty = rel[..., 0:1]
    tx = rel[..., 1:2]
    th = rel[..., 2:3]
    tw = rel[..., 3:4]
    yc = ty * a_h + a_yc
    xc = tx * a_w + a_xc
    h = jnp.exp(th) * a_h
    w = jnp.exp(tw) * a_w
    ymin = jnp.clip(yc - 0.5 * h, 0.0, float(IMG_SIZE[0]))
    xmin = jnp.clip(xc - 0.5 * w, 0.0, float(IMG_SIZE[1]))
    ymax = jnp.clip(yc + 0.5 * h, 0.0, float(IMG_SIZE[0]))
    xmax = jnp.clip(xc + 0.5 * w, 0.0, float(IMG_SIZE[1]))
    return jnp.concatenate([ymin, xmin, ymax, xmax], -1)


def _nms_single(boxes, scores):
    # boxes [N,4], scores [N,C] -> class-aware greedy NMS, top MAX_DET
    N, C = scores.shape
    flat = scores.reshape(-1)
    flat = jnp.where(flat >= SCORE_THR, flat, -1.0)
    top_scores, top_idx = jax.lax.top_k(flat, NUM_CANDS)
    box_idx = top_idx // C
    labels = top_idx % C
    cb = boxes[box_idx]  # candidate boxes [K,4]
    sb = cb + labels.astype(jnp.float32)[:, None] * 1e4  # class-offset trick
    y1, x1, y2, x2 = sb[:, 0], sb[:, 1], sb[:, 2], sb[:, 3]
    areas = (y2 - y1) * (x2 - x1)

    def body(i, state):
        rem, sel, valid = state
        j = jnp.argmax(rem)
        v = rem[j]
        ok = v > 0.0
        sel = sel.at[i].set(j.astype(jnp.int32))
        valid = valid.at[i].set(ok)
        iy1 = jnp.maximum(y1[j], y1)
        ix1 = jnp.maximum(x1[j], x1)
        iy2 = jnp.minimum(y2[j], y2)
        ix2 = jnp.minimum(x2[j], x2)
        inter = jnp.clip(iy2 - iy1, 0.0) * jnp.clip(ix2 - ix1, 0.0)
        union = areas[j] + areas - inter
        iou = inter / jnp.maximum(union, 1e-9)
        rem = jnp.where(iou > IOU_THR, -1.0, rem)
        rem = rem.at[j].set(-1.0)
        return rem, sel, valid

    rem, sel, valid = jax.lax.fori_loop(
        0, MAX_DET, body,
        (top_scores, jnp.zeros((MAX_DET,), jnp.int32), jnp.zeros((MAX_DET,), bool)))
    vm = valid.astype(boxes.dtype)
    out_boxes = cb[sel] * vm[:, None]
    out_scores = jnp.where(valid, top_scores[sel], 0.0)
    out_labels = jnp.where(valid, labels[sel], 0).astype(jnp.int32)
    return out_boxes, out_scores, out_labels


def setup_inputs(seed: int = 0) -> dict:
    key = jax.random.key(seed)
    k1, k2 = jax.random.split(key)
    boxes = jax.random.normal(k1, (4, 8400, 4), dtype=jnp.float32)
    scores = jax.random.uniform(k2, (4, 8400, 80), dtype=jnp.float32)
    return {"boxes": boxes, "scores": scores}


def reference(boxes, scores):
    anchors = make_anchors()
    dec = box_decode(boxes, anchors)
    out_boxes, out_scores, out_labels = jax.vmap(_nms_single)(dec, scores)
    return out_boxes, out_scores, out_labels

if __name__ == "__main__":
    import jax
    _d = setup_inputs()
    print(jax.jit(kernel)(*tuple(_d.values())))

</pallas_src>

<mosaic_0001>
module attributes {stable_mosaic.version = 14 : i64} {
  func.func @_select_kernel(%arg0: i32, %arg1: memref<1x5280x128xf32, #tpu.memory_space<vmem>>, %arg2: memref<1x2048x128xf32, #tpu.memory_space<vmem>>, %arg3: memref<1x2048x128xi32, #tpu.memory_space<vmem>>, %arg4: memref<5280x128xi32, #tpu.memory_space<vmem>>) attributes {dimension_semantics = [#tpu.dimension_semantics<arbitrary>], iteration_bounds = array<i64: 4>, scalar_prefetch = 0 : i64, scratch_operands = 1 : i64, tpu.core_type = #tpu.core_type<tc>, window_params = [{transform_indices = @transform_0, window_bounds = array<i64: 1, 5280, 128>}, {transform_indices = @transform_1, window_bounds = array<i64: 1, 2048, 128>}, {transform_indices = @transform_2, window_bounds = array<i64: 1, 2048, 128>}]} {
    %iota3A = tpu.iota {dimensions = array<i32: 0>} : vector<5280x128xi32>
    %iota3A_0 = tpu.iota {dimensions = array<i32: 1>} : vector<5280x128xi32>
    %mul3A = arith.constant 128 : i32
    %mul3A_1 = vector.broadcast %mul3A : i32 to vector<5280x128xi32>
    %mul3A_2 = arith.muli %iota3A, %mul3A_1 : vector<5280x128xi32>
    %add3A = arith.addi %mul3A_2, %iota3A_0 : vector<5280x128xi32>
    %broadcast_in_dim3A = arith.constant 981668463 : i32
    %broadcast_in_dim3A_3 = vector.broadcast %broadcast_in_dim3A : i32 to vector<1x1xi32>
    %broadcast_in_dim3A_4 = arith.constant 1065353216 : i32
    %broadcast_in_dim3A_5 = vector.broadcast %broadcast_in_dim3A_4 : i32 to vector<1x1xi32>
    %broadcast_in_dim3A_6 = arith.constant 0 : i32
    %broadcast_in_dim3A_7 = vector.broadcast %broadcast_in_dim3A_6 : i32 to vector<1x1xi32>
    %scan3A = arith.constant 0 : i32
    %scan3A_8 = arith.constant 27 : i32
    %scan3A_9 = arith.addi %scan3A, %scan3A_8 : i32
    %scan3A_10 = arith.constant 1 : i32
    %scan3A_11:3 = scf.for %scan3A_66 = %scan3A to %scan3A_9 step %scan3A_10 iter_args(%scan3A_67 = %broadcast_in_dim3A_3, %scan3A_68 = %broadcast_in_dim3A_5, %scan3A_69 = %broadcast_in_dim3A_7) -> (vector<1x1xi32>, vector<1x1xi32>, vector<1x1xi32>)  : i32 {
      %add3A_70 = arith.addi %scan3A_67, %scan3A_68 : vector<1x1xi32>
      %jit3A_71 = arith.constant 2 : i32
      %div3A = vector.broadcast %jit3A_71 : i32 to vector<1x1xi32>
      %div3A_72 = arith.divsi %add3A_70, %div3A : vector<1x1xi32>
      %sign3A = arith.constant 0 : i32
      %sign3A_73 = vector.broadcast %sign3A : i32 to vector<1x1xi32>
      %sign3A_74 = arith.cmpi sgt, %add3A_70, %sign3A_73 : vector<1x1xi32>
      %sign3A_75 = arith.extui %sign3A_74 : vector<1x1xi1> to vector<1x1xi32>
      %sign3A_76 = arith.constant 0 : i32
      %sign3A_77 = vector.broadcast %sign3A_76 : i32 to vector<1x1xi32>
      %sign3A_78 = arith.cmpi slt, %add3A_70, %sign3A_77 : vector<1x1xi32>
      %sign3A_79 = arith.extui %sign3A_78 : vector<1x1xi1> to vector<1x1xi32>
      %sign3A_80 = arith.subi %sign3A_75, %sign3A_79 : vector<1x1xi32>
      %sign3A_81 = arith.constant 0 : i32
      %sign3A_82 = arith.cmpi sgt, %jit3A_71, %sign3A_81 : i32
      %sign3A_83 = arith.extui %sign3A_82 : i1 to i32
      %sign3A_84 = arith.constant 0 : i32
      %sign3A_85 = arith.cmpi slt, %jit3A_71, %sign3A_84 : i32
      %sign3A_86 = arith.extui %sign3A_85 : i1 to i32
      %sign3A_87 = arith.subi %sign3A_83, %sign3A_86 : i32
      %ne3A = vector.broadcast %sign3A_87 : i32 to vector<1x1xi32>
      %ne3A_88 = arith.cmpi ne, %sign3A_80, %ne3A : vector<1x1xi32>
      %rem3A = vector.broadcast %jit3A_71 : i32 to vector<1x1xi32>
      %rem3A_89 = arith.remsi %add3A_70, %rem3A : vector<1x1xi32>
      %ne3A_90 = arith.constant 0 : i32
      %ne3A_91 = vector.broadcast %ne3A_90 : i32 to vector<1x1xi32>
      %ne3A_92 = arith.cmpi ne, %rem3A_89, %ne3A_91 : vector<1x1xi32>
      %and3A_93 = arith.andi %ne3A_88, %ne3A_92 : vector<1x1xi1>
      %sub3A_94 = arith.constant 1 : i32
      %sub3A_95 = vector.broadcast %sub3A_94 : i32 to vector<1x1xi32>
      %sub3A_96 = arith.subi %div3A_72, %sub3A_95 : vector<1x1xi32>
      %select_n3A_97 = arith.select %and3A_93, %sub3A_96, %div3A_72 : vector<1x1xi1>, vector<1x1xi32>
      %bitcast_convert_type3A_98 = tpu.bitcast %select_n3A_97 : vector<1x1xi32> -> vector<1x1xf32>
      %get3A_99 = arith.constant 0 : index
      %get3A_100 = arith.constant 0 : index
      %get3A_101 = arith.constant 0 : index
      %get3A_102 = vector.load %arg1[%get3A_99, %get3A_100, %get3A_101] : memref<1x5280x128xf32, #tpu.memory_space<vmem>>, vector<1x5280x128xf32>
      %get3A_103 = vector.shape_cast %get3A_102 : vector<1x5280x128xf32> to vector<5280x128xf32>
      %ge3A = vector.broadcast %bitcast_convert_type3A_98 : vector<1x1xf32> to vector<5280x128xf32>
      %ge3A_104 = arith.cmpf oge, %get3A_103, %ge3A : vector<5280x128xf32>
      %convert_element_type3A_105 = arith.extui %ge3A_104 : vector<5280x128xi1> to vector<5280x128xi32>
      %reduce_sum3A = vector.shape_cast %convert_element_type3A_105 : vector<5280x128xi32> to vector<1x5280x128xi32>
      %reduce_sum3A_106 = arith.constant dense<0> : vector<1xi32>
      %reduce_sum3A_107 = vector.multi_reduction <add>, %reduce_sum3A, %reduce_sum3A_106 [1, 2] : vector<1x5280x128xi32> to vector<1xi32>
      %reduce_sum3A_108 = vector.shape_cast %reduce_sum3A_107 : vector<1xi32> to vector<1x1x1xi32>
      %reduce_sum3A_109 = vector.extract %reduce_sum3A_108[0, 0, 0] : i32 from vector<1x1x1xi32>
      %broadcast_in_dim3A_110 = vector.broadcast %reduce_sum3A_109 : i32 to vector<1x1xi32>
      %ge3A_111 = arith.constant 2048 : i32
      %ge3A_112 = vector.broadcast %ge3A_111 : i32 to vector<1x1xi32>
      %ge3A_113 = arith.cmpi sge, %broadcast_in_dim3A_110, %ge3A_112 : vector<1x1xi32>
      %select_n3A_114 = arith.select %ge3A_113, %select_n3A_97, %scan3A_67 : vector<1x1xi1>, vector<1x1xi32>
      %select_n3A_115 = arith.select %ge3A_113, %scan3A_68, %select_n3A_97 : vector<1x1xi1>, vector<1x1xi32>
      %select_n3A_116 = arith.select %ge3A_113, %scan3A_69, %broadcast_in_dim3A_110 : vector<1x1xi1>, vector<1x1xi32>
      scf.yield %select_n3A_114, %select_n3A_115, %select_n3A_116 : vector<1x1xi32>, vector<1x1xi32>, vector<1x1xi32>
    }
    %bitcast_convert_type3A = tpu.bitcast %scan3A_11#0 : vector<1x1xi32> -> vector<1x1xf32>
    %sub3A = arith.constant 2048 : i32
    %sub3A_12 = vector.broadcast %sub3A : i32 to vector<1x1xi32>
    %sub3A_13 = arith.subi %sub3A_12, %scan3A_11#2 : vector<1x1xi32>
    %get3A = arith.constant 0 : index
    %get3A_14 = arith.constant 0 : index
    %get3A_15 = arith.constant 0 : index
    %get3A_16 = vector.load %arg1[%get3A, %get3A_14, %get3A_15] : memref<1x5280x128xf32, #tpu.memory_space<vmem>>, vector<1x5280x128xf32>
    %get3A_17 = vector.shape_cast %get3A_16 : vector<1x5280x128xf32> to vector<5280x128xf32>
    %eq3A = vector.broadcast %bitcast_convert_type3A : vector<1x1xf32> to vector<5280x128xf32>
    %eq3A_18 = arith.cmpf oeq, %get3A_17, %eq3A : vector<5280x128xf32>
    %jit3A = arith.constant 1073741824 : i32
    %broadcast_in_dim3A_19 = vector.broadcast %jit3A : i32 to vector<5280x128xi32>
    %select_n3A = arith.select %eq3A_18, %add3A, %broadcast_in_dim3A_19 : vector<5280x128xi1>, vector<5280x128xi32>
    %reduce_min3A = vector.shape_cast %select_n3A : vector<5280x128xi32> to vector<1x5280x128xi32>
    %reduce_min3A_20 = arith.constant dense<2147483647> : vector<1xi32>
    %reduce_min3A_21 = vector.multi_reduction <minsi>, %reduce_min3A, %reduce_min3A_20 [1, 2] : vector<1x5280x128xi32> to vector<1xi32>
    %reduce_min3A_22 = vector.shape_cast %reduce_min3A_21 : vector<1xi32> to vector<1x1x1xi32>
    %reduce_min3A_23 = vector.extract %reduce_min3A_22[0, 0, 0] : i32 from vector<1x1x1xi32>
    %broadcast_in_dim3A_24 = vector.broadcast %reduce_min3A_23 : i32 to vector<1x1xi32>
    %squeeze3A = vector.extract %sub3A_13[0, 0] : i32 from vector<1x1xi32>
    %gt3A = arith.constant 1 : i32
    %gt3A_25 = arith.cmpi sgt, %squeeze3A, %gt3A : i32
    %convert_element_type3A = arith.extui %gt3A_25 : i1 to i32
    %cond3A = arith.constant 0 : i32
    %cond3A_26 = arith.cmpi ne, %convert_element_type3A, %cond3A : i32
    %cond3A_27 = scf.if %cond3A_26 -> (vector<1x1xi32>) {
      %broadcast_in_dim3A_66 = arith.constant -1 : i32
      %broadcast_in_dim3A_67 = vector.broadcast %broadcast_in_dim3A_66 : i32 to vector<1x1xi32>
      %broadcast_in_dim3A_68 = arith.constant 671999 : i32
      %broadcast_in_dim3A_69 = vector.broadcast %broadcast_in_dim3A_68 : i32 to vector<1x1xi32>
      %scan3A_70 = arith.constant 0 : i32
      %scan3A_71 = arith.constant 20 : i32
      %scan3A_72 = arith.addi %scan3A_70, %scan3A_71 : i32
      %scan3A_73 = arith.constant 1 : i32
      %scan3A_74:2 = scf.for %scan3A_75 = %scan3A_70 to %scan3A_72 step %scan3A_73 iter_args(%scan3A_76 = %broadcast_in_dim3A_67, %scan3A_77 = %broadcast_in_dim3A_69) -> (vector<1x1xi32>, vector<1x1xi32>)  : i32 {
        %add3A_78 = arith.addi %scan3A_76, %scan3A_77 : vector<1x1xi32>
        %jit3A_79 = arith.constant 2 : i32
        %div3A = vector.broadcast %jit3A_79 : i32 to vector<1x1xi32>
        %div3A_80 = arith.divsi %add3A_78, %div3A : vector<1x1xi32>
        %sign3A = arith.constant 0 : i32
        %sign3A_81 = vector.broadcast %sign3A : i32 to vector<1x1xi32>
        %sign3A_82 = arith.cmpi sgt, %add3A_78, %sign3A_81 : vector<1x1xi32>
        %sign3A_83 = arith.extui %sign3A_82 : vector<1x1xi1> to vector<1x1xi32>
        %sign3A_84 = arith.constant 0 : i32
        %sign3A_85 = vector.broadcast %sign3A_84 : i32 to vector<1x1xi32>
        %sign3A_86 = arith.cmpi slt, %add3A_78, %sign3A_85 : vector<1x1xi32>
        %sign3A_87 = arith.extui %sign3A_86 : vector<1x1xi1> to vector<1x1xi32>
        %sign3A_88 = arith.subi %sign3A_83, %sign3A_87 : vector<1x1xi32>
        %sign3A_89 = arith.constant 0 : i32
        %sign3A_90 = arith.cmpi sgt, %jit3A_79, %sign3A_89 : i32
        %sign3A_91 = arith.extui %sign3A_90 : i1 to i32
        %sign3A_92 = arith.constant 0 : i32
        %sign3A_93 = arith.cmpi slt, %jit3A_79, %sign3A_92 : i32
        %sign3A_94 = arith.extui %sign3A_93 : i1 to i32
        %sign3A_95 = arith.subi %sign3A_91, %sign3A_94 : i32
        %ne3A = vector.broadcast %sign3A_95 : i32 to vector<1x1xi32>
        %ne3A_96 = arith.cmpi ne, %sign3A_88, %ne3A : vector<1x1xi32>
        %rem3A = vector.broadcast %jit3A_79 : i32 to vector<1x1xi32>
        %rem3A_97 = arith.remsi %add3A_78, %rem3A : vector<1x1xi32>
        %ne3A_98 = arith.constant 0 : i32
        %ne3A_99 = vector.broadcast %ne3A_98 : i32 to vector<1x1xi32>
        %ne3A_100 = arith.cmpi ne, %rem3A_97, %ne3A_99 : vector<1x1xi32>
        %and3A_101 = arith.andi %ne3A_96, %ne3A_100 : vector<1x1xi1>
        %sub3A_102 = arith.constant 1 : i32
        %sub3A_103 = vector.broadcast %sub3A_102 : i32 to vector<1x1xi32>
        %sub3A_104 = arith.subi %div3A_80, %sub3A_103 : vector<1x1xi32>
        %select_n3A_105 = arith.select %and3A_101, %sub3A_104, %div3A_80 : vector<1x1xi1>, vector<1x1xi32>
        %le3A_106 = vector.broadcast %select_n3A_105 : vector<1x1xi32> to vector<5280x128xi32>
        %le3A_107 = arith.cmpi sle, %select_n3A, %le3A_106 : vector<5280x128xi32>
        %convert_element_type3A_108 = arith.extui %le3A_107 : vector<5280x128xi1> to vector<5280x128xi32>
        %reduce_sum3A = vector.shape_cast %convert_element_type3A_108 : vector<5280x128xi32> to vector<1x5280x128xi32>
        %reduce_sum3A_109 = arith.constant dense<0> : vector<1xi32>
        %reduce_sum3A_110 = vector.multi_reduction <add>, %reduce_sum3A, %reduce_sum3A_109 [1, 2] : vector<1x5280x128xi32> to vector<1xi32>
        %reduce_sum3A_111 = vector.shape_cast %reduce_sum3A_110 : vector<1xi32> to vector<1x1x1xi32>
        %reduce_sum3A_112 = vector.extract %reduce_sum3A_111[0, 0, 0] : i32 from vector<1x1x1xi32>
        %broadcast_in_dim3A_113 = vector.broadcast %reduce_sum3A_112 : i32 to vector<1x1xi32>
        %ge3A = arith.cmpi sge, %broadcast_in_dim3A_113, %sub3A_13 : vector<1x1xi32>
        %select_n3A_114 = arith.select %ge3A, %select_n3A_105, %scan3A_77 : vector<1x1xi1>, vector<1x1xi32>
        %select_n3A_115 = arith.select %ge3A, %scan3A_76, %select_n3A_105 : vector<1x1xi1>, vector<1x1xi32>
        scf.yield %select_n3A_115, %select_n3A_114 : vector<1x1xi32>, vector<1x1xi32>
      }
      scf.yield %scan3A_74#1 : vector<1x1xi32>
    } else {
      scf.yield %broadcast_in_dim3A_24 : vector<1x1xi32>
    }
    %get3A_28 = arith.constant 0 : index
    %get3A_29 = arith.constant 0 : index
    %get3A_30 = arith.constant 0 : index
    %get3A_31 = vector.load %arg1[%get3A_28, %get3A_29, %get3A_30] : memref<1x5280x128xf32, #tpu.memory_space<vmem>>, vector<1x5280x128xf32>
    %get3A_32 = vector.shape_cast %get3A_31 : vector<1x5280x128xf32> to vector<5280x128xf32>
    %gt3A_33 = vector.broadcast %bitcast_convert_type3A : vector<1x1xf32> to vector<5280x128xf32>
    %gt3A_34 = arith.cmpf ogt, %get3A_32, %gt3A_33 : vector<5280x128xf32>
    %eq3A_35 = vector.broadcast %bitcast_convert_type3A : vector<1x1xf32> to vector<5280x128xf32>
    %eq3A_36 = arith.cmpf oeq, %get3A_32, %eq3A_35 : vector<5280x128xf32>
    %le3A = vector.broadcast %cond3A_27 : vector<1x1xi32> to vector<5280x128xi32>
    %le3A_37 = arith.cmpi sle, %add3A, %le3A : vector<5280x128xi32>
    %and3A = arith.andi %eq3A_36, %le3A_37 : vector<5280x128xi1>
    %or3A = arith.ori %gt3A_34, %and3A : vector<5280x128xi1>
    %jit3A_38 = arith.constant 1073741824 : i32
    %broadcast_in_dim3A_39 = vector.broadcast %jit3A_38 : i32 to vector<5280x128xi32>
    %select_n3A_40 = arith.select %or3A, %add3A, %broadcast_in_dim3A_39 : vector<5280x128xi1>, vector<5280x128xi32>
    %swap3A = arith.constant 0 : index
    %swap3A_41 = arith.constant 0 : index
    %swap3A_42 = vector.load %arg4[%swap3A, %swap3A_41] : memref<5280x128xi32, #tpu.memory_space<vmem>>, vector<5280x128xi32>
    tpu.vector_store %arg4[%swap3A, %swap3A_41], %select_n3A_40 {strides = array<i32>} : memref<5280x128xi32, #tpu.memory_space<vmem>>, vector<5280x128xi32>,
    %broadcast_in_dim3A_43 = arith.constant -1.000000e+00 : f32
    %broadcast_in_dim3A_44 = vector.broadcast %broadcast_in_dim3A_43 : f32 to vector<2048x128xf32>
    %swap3A_45 = arith.constant 0 : index
    %swap3A_46 = arith.constant 0 : index
    %swap3A_47 = arith.constant 0 : index
    %swap3A_48 = vector.load %arg2[%swap3A_45, %swap3A_46, %swap3A_47] : memref<1x2048x128xf32, #tpu.memory_space<vmem>>, vector<1x2048x128xf32>
    %swap3A_49 = vector.shape_cast %swap3A_48 : vector<1x2048x128xf32> to vector<2048x128xf32>
    %swap3A_50 = vector.shape_cast %broadcast_in_dim3A_44 : vector<2048x128xf32> to vector<1x2048x128xf32>
    tpu.vector_store %arg2[%swap3A_45, %swap3A_46, %swap3A_47], %swap3A_50 {strides = array<i32>} : memref<1x2048x128xf32, #tpu.memory_space<vmem>>, vector<1x2048x128xf32>,
    %broadcast_in_dim3A_51 = arith.constant 0 : i32
    %broadcast_in_dim3A_52 = vector.broadcast %broadcast_in_dim3A_51 : i32 to vector<2048x128xi32>
    %swap3A_53 = arith.constant 0 : index
    %swap3A_54 = arith.constant 0 : index
    %swap3A_55 = arith.constant 0 : index
    %swap3A_56 = vector.load %arg3[%swap3A_53, %swap3A_54, %swap3A_55] : memref<1x2048x128xi32, #tpu.memory_space<vmem>>, vector<1x2048x128xi32>
    %swap3A_57 = vector.shape_cast %swap3A_56 : vector<1x2048x128xi32> to vector<2048x128xi32>
    %swap3A_58 = vector.shape_cast %broadcast_in_dim3A_52 : vector<2048x128xi32> to vector<1x2048x128xi32>
    tpu.vector_store %arg3[%swap3A_53, %swap3A_54, %swap3A_55], %swap3A_58 {strides = array<i32>} : memref<1x2048x128xi32, #tpu.memory_space<vmem>>, vector<1x2048x128xi32>,
    %scan3A_59 = arith.constant 0 : i32
    %scan3A_60 = arith.constant 0 : i32
    %scan3A_61 = arith.constant 165 : i32
    %scan3A_62 = arith.addi %scan3A_60, %scan3A_61 : i32
    %scan3A_63 = arith.constant 1 : i32
    %scan3A_64 = scf.for %scan3A_66 = %scan3A_60 to %scan3A_62 step %scan3A_63 iter_args(%scan3A_67 = %scan3A_59) -> (i32)  : i32 {
      %mul3A_68 = arith.constant 32 : i32
      %mul3A_69 = arith.muli %scan3A_66, %mul3A_68 : i32
      %get3A_70 = arith.index_cast %mul3A_69 : i32 to index
      %get3A_71 = arith.constant 0 : index
      %get3A_72 = vector.load %arg4[%get3A_70, %get3A_71] : memref<5280x128xi32, #tpu.memory_space<vmem>>, vector<32x128xi32>
      %mul3A_73 = arith.constant 32 : i32
      %mul3A_74 = arith.muli %scan3A_66, %mul3A_73 : i32
      %get3A_75 = arith.constant 0 : index
      %get3A_76 = arith.index_cast %mul3A_74 : i32 to index
      %get3A_77 = arith.constant 0 : index
      %get3A_78 = vector.load %arg1[%get3A_75, %get3A_76, %get3A_77] : memref<1x5280x128xf32, #tpu.memory_space<vmem>>, vector<1x32x128xf32>
      %get3A_79 = vector.shape_cast %get3A_78 : vector<1x32x128xf32> to vector<32x128xf32>
      %lt3A = arith.constant 1073741824 : i32
      %lt3A_80 = vector.broadcast %lt3A : i32 to vector<32x128xi32>
      %lt3A_81 = arith.cmpi slt, %get3A_72, %lt3A_80 : vector<32x128xi32>
      %convert_element_type3A_82 = arith.extui %lt3A_81 : vector<32x128xi1> to vector<32x128xi32>
      %reduce_sum3A = vector.shape_cast %convert_element_type3A_82 : vector<32x128xi32> to vector<1x32x128xi32>
      %reduce_sum3A_83 = arith.constant dense<0> : vector<1xi32>
      %reduce_sum3A_84 = vector.multi_reduction <add>, %reduce_sum3A, %reduce_sum3A_83 [1, 2] : vector<1x32x128xi32> to vector<1xi32>
      %reduce_sum3A_85 = vector.shape_cast %reduce_sum3A_84 : vector<1xi32> to vector<1x1x1xi32>
      %reduce_sum3A_86 = vector.extract %reduce_sum3A_85[0, 0, 0] : i32 from vector<1x1x1xi32>
      %while3A = arith.constant 0 : i32
      %while3A_87 = arith.subi %reduce_sum3A_86, %while3A : i32
      %while3A_88 = arith.addi %while3A, %while3A_87 : i32
      %while3A_89 = arith.constant 1 : i32
      %while3A_90 = arith.divsi %while3A_87, %while3A_89 : i32
      %while3A_91 = arith.muli %while3A_90, %while3A_89 : i32
      %while3A_92 = arith.addi %while3A, %while3A_91 : i32
      %while3A_93 = arith.constant 1 : i32
      %while3A_94:2 = scf.for %while3A_97 = %while3A to %while3A_92 step %while3A_93 iter_args(%while3A_98 = %scan3A_67, %while3A_99 = %get3A_72) -> (i32, vector<32x128xi32>)  : i32 {
        %reduce_min3A_100 = vector.shape_cast %while3A_99 : vector<32x128xi32> to vector<1x32x128xi32>
        %reduce_min3A_101 = arith.constant dense<2147483647> : vector<1xi32>
        %reduce_min3A_102 = vector.multi_reduction <minsi>, %reduce_min3A_100, %reduce_min3A_101 [1, 2] : vector<1x32x128xi32> to vector<1xi32>
        %reduce_min3A_103 = vector.shape_cast %reduce_min3A_102 : vector<1xi32> to vector<1x1x1xi32>
        %reduce_min3A_104 = vector.extract %reduce_min3A_103[0, 0, 0] : i32 from vector<1x1x1xi32>
        %broadcast_in_dim3A_105 = vector.broadcast %reduce_min3A_104 : i32 to vector<1x1xi32>
        %eq3A_106 = vector.broadcast %broadcast_in_dim3A_105 : vector<1x1xi32> to vector<32x128xi32>
        %eq3A_107 = arith.cmpi eq, %while3A_99, %eq3A_106 : vector<32x128xi32>
        %jit3A_108 = arith.constant 0.000000e+00 : f32
        %broadcast_in_dim3A_109 = vector.broadcast %jit3A_108 : f32 to vector<32x128xf32>
        %select_n3A_110 = arith.select %eq3A_107, %get3A_79, %broadcast_in_dim3A_109 : vector<32x128xi1>, vector<32x128xf32>
        %reduce_sum3A_111 = vector.shape_cast %select_n3A_110 : vector<32x128xf32> to vector<1x32x128xf32>
        %reduce_sum3A_112 = arith.constant dense<0.000000e+00> : vector<1xf32>
        %reduce_sum3A_113 = vector.multi_reduction <add>, %reduce_sum3A_111, %reduce_sum3A_112 [1, 2] : vector<1x32x128xf32> to vector<1xf32>
        %reduce_sum3A_114 = vector.shape_cast %reduce_sum3A_113 : vector<1xf32> to vector<1x1x1xf32>
        %reduce_sum3A_115 = vector.extract %reduce_sum3A_114[0, 0, 0] : f32 from vector<1x1x1xf32>
        %broadcast_in_dim3A_116 = vector.broadcast %reduce_sum3A_115 : f32 to vector<1x1xf32>
        %broadcast_in_dim3A_117 = vector.shape_cast %broadcast_in_dim3A_116 : vector<1x1xf32> to vector<1x1xf32>
        %broadcast_in_dim3A_118 = vector.broadcast %broadcast_in_dim3A_117 : vector<1x1xf32> to vector<1x128xf32>
        %swap3A_119 = arith.constant 0 : index
        %swap3A_120 = arith.index_cast %while3A_98 : i32 to index
        %swap3A_121 = arith.constant 0 : index
        %swap3A_122 = vector.load %arg2[%swap3A_119, %swap3A_120, %swap3A_121] : memref<1x2048x128xf32, #tpu.memory_space<vmem>>, vector<1x1x128xf32>
        %swap3A_123 = vector.shape_cast %swap3A_122 : vector<1x1x128xf32> to vector<1x128xf32>
        %swap3A_124 = vector.shape_cast %broadcast_in_dim3A_118 : vector<1x128xf32> to vector<1x1x128xf32>
        tpu.vector_store %arg2[%swap3A_119, %swap3A_120, %swap3A_121], %swap3A_124 {strides = array<i32>} : memref<1x2048x128xf32, #tpu.memory_space<vmem>>, vector<1x1x128xf32>,
        %broadcast_in_dim3A_125 = vector.shape_cast %broadcast_in_dim3A_105 : vector<1x1xi32> to vector<1x1xi32>
        %broadcast_in_dim3A_126 = vector.broadcast %broadcast_in_dim3A_125 : vector<1x1xi32> to vector<1x128xi32>
        %swap3A_127 = arith.constant 0 : index
        %swap3A_128 = arith.index_cast %while3A_98 : i32 to index
        %swap3A_129 = arith.constant 0 : index
        %swap3A_130 = vector.load %arg3[%swap3A_127, %swap3A_128, %swap3A_129] : memref<1x2048x128xi32, #tpu.memory_space<vmem>>, vector<1x1x128xi32>
        %swap3A_131 = vector.shape_cast %swap3A_130 : vector<1x1x128xi32> to vector<1x128xi32>
        %swap3A_132 = vector.shape_cast %broadcast_in_dim3A_126 : vector<1x128xi32> to vector<1x1x128xi32>
        tpu.vector_store %arg3[%swap3A_127, %swap3A_128, %swap3A_129], %swap3A_132 {strides = array<i32>} : memref<1x2048x128xi32, #tpu.memory_space<vmem>>, vector<1x1x128xi32>,
        %jit3A_133 = arith.constant 1073741824 : i32
        %broadcast_in_dim3A_134 = vector.broadcast %jit3A_133 : i32 to vector<32x128xi32>
        %select_n3A_135 = arith.select %eq3A_107, %broadcast_in_dim3A_134, %while3A_99 : vector<32x128xi1>, vector<32x128xi32>
        %add3A_136 = arith.constant 1 : i32
        %add3A_137 = arith.addi %while3A_98, %add3A_136 : i32
        scf.yield %add3A_137, %select_n3A_135 : i32, vector<32x128xi32>
      }
      %while3A_95 = arith.constant 1 : i32
      %while3A_96:2 = scf.for %while3A_97 = %while3A_92 to %while3A_88 step %while3A_95 iter_args(%while3A_98 = %while3A_94#0, %while3A_99 = %while3A_94#1) -> (i32, vector<32x128xi32>)  : i32 {
        %reduce_min3A_100 = vector.shape_cast %while3A_99 : vector<32x128xi32> to vector<1x32x128xi32>
        %reduce_min3A_101 = arith.constant dense<2147483647> : vector<1xi32>
        %reduce_min3A_102 = vector.multi_reduction <minsi>, %reduce_min3A_100, %reduce_min3A_101 [1, 2] : vector<1x32x128xi32> to vector<1xi32>
        %reduce_min3A_103 = vector.shape_cast %reduce_min3A_102 : vector<1xi32> to vector<1x1x1xi32>
        %reduce_min3A_104 = vector.extract %reduce_min3A_103[0, 0, 0] : i32 from vector<1x1x1xi32>
        %broadcast_in_dim3A_105 = vector.broadcast %reduce_min3A_104 : i32 to vector<1x1xi32>
        %eq3A_106 = vector.broadcast %broadcast_in_dim3A_105 : vector<1x1xi32> to vector<32x128xi32>
        %eq3A_107 = arith.cmpi eq, %while3A_99, %eq3A_106 : vector<32x128xi32>
        %jit3A_108 = arith.constant 0.000000e+00 : f32
        %broadcast_in_dim3A_109 = vector.broadcast %jit3A_108 : f32 to vector<32x128xf32>
        %select_n3A_110 = arith.select %eq3A_107, %get3A_79, %broadcast_in_dim3A_109 : vector<32x128xi1>, vector<32x128xf32>
        %reduce_sum3A_111 = vector.shape_cast %select_n3A_110 : vector<32x128xf32> to vector<1x32x128xf32>
        %reduce_sum3A_112 = arith.constant dense<0.000000e+00> : vector<1xf32>
        %reduce_sum3A_113 = vector.multi_reduction <add>, %reduce_sum3A_111, %reduce_sum3A_112 [1, 2] : vector<1x32x128xf32> to vector<1xf32>
        %reduce_sum3A_114 = vector.shape_cast %reduce_sum3A_113 : vector<1xf32> to vector<1x1x1xf32>
        %reduce_sum3A_115 = vector.extract %reduce_sum3A_114[0, 0, 0] : f32 from vector<1x1x1xf32>
        %broadcast_in_dim3A_116 = vector.broadcast %reduce_sum3A_115 : f32 to vector<1x1xf32>
        %broadcast_in_dim3A_117 = vector.shape_cast %broadcast_in_dim3A_116 : vector<1x1xf32> to vector<1x1xf32>
        %broadcast_in_dim3A_118 = vector.broadcast %broadcast_in_dim3A_117 : vector<1x1xf32> to vector<1x128xf32>
        %swap3A_119 = arith.constant 0 : index
        %swap3A_120 = arith.index_cast %while3A_98 : i32 to index
        %swap3A_121 = arith.constant 0 : index
        %swap3A_122 = vector.load %arg2[%swap3A_119, %swap3A_120, %swap3A_121] : memref<1x2048x128xf32, #tpu.memory_space<vmem>>, vector<1x1x128xf32>
        %swap3A_123 = vector.shape_cast %swap3A_122 : vector<1x1x128xf32> to vector<1x128xf32>
        %swap3A_124 = vector.shape_cast %broadcast_in_dim3A_118 : vector<1x128xf32> to vector<1x1x128xf32>
        tpu.vector_store %arg2[%swap3A_119, %swap3A_120, %swap3A_121], %swap3A_124 {strides = array<i32>} : memref<1x2048x128xf32, #tpu.memory_space<vmem>>, vector<1x1x128xf32>,
        %broadcast_in_dim3A_125 = vector.shape_cast %broadcast_in_dim3A_105 : vector<1x1xi32> to vector<1x1xi32>
        %broadcast_in_dim3A_126 = vector.broadcast %broadcast_in_dim3A_125 : vector<1x1xi32> to vector<1x128xi32>
        %swap3A_127 = arith.constant 0 : index
        %swap3A_128 = arith.index_cast %while3A_98 : i32 to index
        %swap3A_129 = arith.constant 0 : index
        %swap3A_130 = vector.load %arg3[%swap3A_127, %swap3A_128, %swap3A_129] : memref<1x2048x128xi32, #tpu.memory_space<vmem>>, vector<1x1x128xi32>
        %swap3A_131 = vector.shape_cast %swap3A_130 : vector<1x1x128xi32> to vector<1x128xi32>
        %swap3A_132 = vector.shape_cast %broadcast_in_dim3A_126 : vector<1x128xi32> to vector<1x1x128xi32>
        tpu.vector_store %arg3[%swap3A_127, %swap3A_128, %swap3A_129], %swap3A_132 {strides = array<i32>} : memref<1x2048x128xi32, #tpu.memory_space<vmem>>, vector<1x1x128xi32>,
        %jit3A_133 = arith.constant 1073741824 : i32
        %broadcast_in_dim3A_134 = vector.broadcast %jit3A_133 : i32 to vector<32x128xi32>
        %select_n3A_135 = arith.select %eq3A_107, %broadcast_in_dim3A_134, %while3A_99 : vector<32x128xi1>, vector<32x128xi32>
        %add3A_136 = arith.constant 1 : i32
        %add3A_137 = arith.addi %while3A_98, %add3A_136 : i32
        scf.yield %add3A_137, %select_n3A_135 : i32, vector<32x128xi32>
      }
      scf.yield %while3A_96#0 : i32
    }
    %scan3A_65 = arith.constant 165 : i32
    return
  }
  func.func @transform_0(%arg0: i32) -> (i32, i32, i32) {
    %c0_i32 = arith.constant 0 : i32
    %c0_i32_0 = arith.constant 0 : i32
    %c0_i32_1 = arith.constant 0 : i32
    return %arg0, %c0_i32, %c0_i32_0 : i32, i32, i32
  }
  func.func @transform_1(%arg0: i32) -> (i32, i32, i32) {
    %c0_i32 = arith.constant 0 : i32
    %c0_i32_0 = arith.constant 0 : i32
    %c0_i32_1 = arith.constant 0 : i32
    return %arg0, %c0_i32, %c0_i32_0 : i32, i32, i32
  }
  func.func @transform_2(%arg0: i32) -> (i32, i32, i32) {
    %c0_i32 = arith.constant 0 : i32
    %c0_i32_0 = arith.constant 0 : i32
    %c0_i32_1 = arith.constant 0 : i32
    return %arg0, %c0_i32, %c0_i32_0 : i32, i32, i32
  }
}

module attributes {stable_mosaic.version = 14 : i64} {
  func.func @_nms_kernel(%arg0: memref<4x2048xf32, #tpu.memory_space<vmem>>, %arg1: memref<4x2048xf32, #tpu.memory_space<vmem>>, %arg2: memref<4x2048xf32, #tpu.memory_space<vmem>>, %arg3: memref<4x2048xf32, #tpu.memory_space<vmem>>, %arg4: memref<4x2048xf32, #tpu.memory_space<vmem>>, %arg5: memref<4x2048xf32, #tpu.memory_space<vmem>>, %arg6: memref<4x2048xf32, #tpu.memory_space<vmem>>, %arg7: memref<4x2048xf32, #tpu.memory_space<vmem>>, %arg8: memref<4x2048xf32, #tpu.memory_space<vmem>>, %arg9: memref<4x2048xf32, #tpu.memory_space<vmem>>, %arg10: memref<4x256xf32, #tpu.memory_space<vmem>>, %arg11: memref<4x256xf32, #tpu.memory_space<vmem>>, %arg12: memref<4x256xf32, #tpu.memory_space<vmem>>, %arg13: memref<4x256xf32, #tpu.memory_space<vmem>>, %arg14: memref<4x256xf32, #tpu.memory_space<vmem>>, %arg15: memref<4x256xf32, #tpu.memory_space<vmem>>) attributes {dimension_semantics = [], scalar_prefetch = 0 : i64, scratch_operands = 0 : i64, tpu.core_type = #tpu.core_type<tc>} {
    %get3A = arith.constant 0 : index
    %get3A_0 = arith.constant 0 : index
    %get3A_1 = vector.load %arg6[%get3A, %get3A_0] : memref<4x2048xf32, #tpu.memory_space<vmem>>, vector<4x2048xf32>
    %get3A_2 = arith.constant 0 : index
    %get3A_3 = arith.constant 0 : index
    %get3A_4 = vector.load %arg4[%get3A_2, %get3A_3] : memref<4x2048xf32, #tpu.memory_space<vmem>>, vector<4x2048xf32>
    %sub3A = arith.subf %get3A_1, %get3A_4 : vector<4x2048xf32>
    %get3A_5 = arith.constant 0 : index
    %get3A_6 = arith.constant 0 : index
    %get3A_7 = vector.load %arg7[%get3A_5, %get3A_6] : memref<4x2048xf32, #tpu.memory_space<vmem>>, vector<4x2048xf32>
    %get3A_8 = arith.constant 0 : index
    %get3A_9 = arith.constant 0 : index
    %get3A_10 = vector.load %arg5[%get3A_8, %get3A_9] : memref<4x2048xf32, #tpu.memory_space<vmem>>, vector<4x2048xf32>
    %sub3A_11 = arith.subf %get3A_7, %get3A_10 : vector<4x2048xf32>
    %get3A_12 = arith.constant 0 : index
    %get3A_13 = arith.constant 0 : index
    %get3A_14 = vector.load %arg4[%get3A_12, %get3A_13] : memref<4x2048xf32, #tpu.memory_space<vmem>>, vector<4x2048xf32>
    %mul3A = arith.constant 5.000000e-01 : f32
    %mul3A_15 = vector.broadcast %mul3A : f32 to vector<4x2048xf32>
    %mul3A_16 = arith.mulf %mul3A_15, %sub3A : vector<4x2048xf32>
    %add3A = arith.addf %get3A_14, %mul3A_16 : vector<4x2048xf32>
    %get3A_17 = arith.constant 0 : index
    %get3A_18 = arith.constant 0 : index
    %get3A_19 = vector.load %arg5[%get3A_17, %get3A_18] : memref<4x2048xf32, #tpu.memory_space<vmem>>, vector<4x2048xf32>
    %mul3A_20 = arith.constant 5.000000e-01 : f32
    %mul3A_21 = vector.broadcast %mul3A_20 : f32 to vector<4x2048xf32>
    %mul3A_22 = arith.mulf %mul3A_21, %sub3A_11 : vector<4x2048xf32>
    %add3A_23 = arith.addf %get3A_19, %mul3A_22 : vector<4x2048xf32>
    %get3A_24 = arith.constant 0 : index
    %get3A_25 = arith.constant 0 : index
    %get3A_26 = vector.load %arg0[%get3A_24, %get3A_25] : memref<4x2048xf32, #tpu.memory_space<vmem>>, vector<4x2048xf32>
    %mul3A_27 = arith.mulf %get3A_26, %sub3A : vector<4x2048xf32>
    %add3A_28 = arith.addf %mul3A_27, %add3A : vector<4x2048xf32>
    %get3A_29 = arith.constant 0 : index
    %get3A_30 = arith.constant 0 : index
    %get3A_31 = vector.load %arg1[%get3A_29, %get3A_30] : memref<4x2048xf32, #tpu.memory_space<vmem>>, vector<4x2048xf32>
    %mul3A_32 = arith.mulf %get3A_31, %sub3A_11 : vector<4x2048xf32>
    %add3A_33 = arith.addf %mul3A_32, %add3A_23 : vector<4x2048xf32>
    %get3A_34 = arith.constant 0 : index
    %get3A_35 = arith.constant 0 : index
    %get3A_36 = vector.load %arg2[%get3A_34, %get3A_35] : memref<4x2048xf32, #tpu.memory_space<vmem>>, vector<4x2048xf32>
    %exp3A = math.exp %get3A_36 : vector<4x2048xf32>
    %mul3A_37 = arith.mulf %exp3A, %sub3A : vector<4x2048xf32>
    %get3A_38 = arith.constant 0 : index
    %get3A_39 = arith.constant 0 : index
    %get3A_40 = vector.load %arg3[%get3A_38, %get3A_39] : memref<4x2048xf32, #tpu.memory_space<vmem>>, vector<4x2048xf32>
    %exp3A_41 = math.exp %get3A_40 : vector<4x2048xf32>
    %mul3A_42 = arith.mulf %exp3A_41, %sub3A_11 : vector<4x2048xf32>
    %mul3A_43 = arith.constant 5.000000e-01 : f32
    %mul3A_44 = vector.broadcast %mul3A_43 : f32 to vector<4x2048xf32>
    %mul3A_45 = arith.mulf %mul3A_44, %mul3A_37 : vector<4x2048xf32>
    %sub3A_46 = arith.subf %add3A_28, %mul3A_45 : vector<4x2048xf32>
    %jit3A = arith.constant 0.000000e+00 : f32
    %jit3A_47 = arith.constant 6.400000e+02 : f32
    %max3A = vector.broadcast %jit3A : f32 to vector<4x2048xf32>
    %max3A_48 = arith.maximumf %max3A, %sub3A_46 : vector<4x2048xf32>
    %min3A = vector.broadcast %jit3A_47 : f32 to vector<4x2048xf32>
    %min3A_49 = arith.minimumf %min3A, %max3A_48 : vector<4x2048xf32>
    %mul3A_50 = arith.constant 5.000000e-01 : f32
    %mul3A_51 = vector.broadcast %mul3A_50 : f32 to vector<4x2048xf32>
    %mul3A_52 = arith.mulf %mul3A_51, %mul3A_42 : vector<4x2048xf32>
    %sub3A_53 = arith.subf %add3A_33, %mul3A_52 : vector<4x2048xf32>
    %jit3A_54 = arith.constant 0.000000e+00 : f32
    %jit3A_55 = arith.constant 6.400000e+02 : f32
    %max3A_56 = vector.broadcast %jit3A_54 : f32 to vector<4x2048xf32>
    %max3A_57 = arith.maximumf %max3A_56, %sub3A_53 : vector<4x2048xf32>
    %min3A_58 = vector.broadcast %jit3A_55 : f32 to vector<4x2048xf32>
    %min3A_59 = arith.minimumf %min3A_58, %max3A_57 : vector<4x2048xf32>
    %mul3A_60 = arith.constant 5.000000e-01 : f32
    %mul3A_61 = vector.broadcast %mul3A_60 : f32 to vector<4x2048xf32>
    %mul3A_62 = arith.mulf %mul3A_61, %mul3A_37 : vector<4x2048xf32>
    %add3A_63 = arith.addf %add3A_28, %mul3A_62 : vector<4x2048xf32>
    %jit3A_64 = arith.constant 0.000000e+00 : f32
    %jit3A_65 = arith.constant 6.400000e+02 : f32
    %max3A_66 = vector.broadcast %jit3A_64 : f32 to vector<4x2048xf32>
    %max3A_67 = arith.maximumf %max3A_66, %add3A_63 : vector<4x2048xf32>
    %min3A_68 = vector.broadcast %jit3A_65 : f32 to vector<4x2048xf32>
    %min3A_69 = arith.minimumf %min3A_68, %max3A_67 : vector<4x2048xf32>
    %mul3A_70 = arith.constant 5.000000e-01 : f32
    %mul3A_71 = vector.broadcast %mul3A_70 : f32 to vector<4x2048xf32>
    %mul3A_72 = arith.mulf %mul3A_71, %mul3A_42 : vector<4x2048xf32>
    %add3A_73 = arith.addf %add3A_33, %mul3A_72 : vector<4x2048xf32>
    %jit3A_74 = arith.constant 0.000000e+00 : f32
    %jit3A_75 = arith.constant 6.400000e+02 : f32
    %max3A_76 = vector.broadcast %jit3A_74 : f32 to vector<4x2048xf32>
    %max3A_77 = arith.maximumf %max3A_76, %add3A_73 : vector<4x2048xf32>
    %min3A_78 = vector.broadcast %jit3A_75 : f32 to vector<4x2048xf32>
    %min3A_79 = arith.minimumf %min3A_78, %max3A_77 : vector<4x2048xf32>
    %get3A_80 = arith.constant 0 : index
    %get3A_81 = arith.constant 0 : index
    %get3A_82 = vector.load %arg8[%get3A_80, %get3A_81] : memref<4x2048xf32, #tpu.memory_space<vmem>>, vector<4x2048xf32>
    %mul3A_83 = arith.constant 1.000000e+04 : f32
    %mul3A_84 = vector.broadcast %mul3A_83 : f32 to vector<4x2048xf32>
    %mul3A_85 = arith.mulf %get3A_82, %mul3A_84 : vector<4x2048xf32>
    %add3A_86 = arith.addf %min3A_49, %mul3A_85 : vector<4x2048xf32>
    %add3A_87 = arith.addf %min3A_59, %mul3A_85 : vector<4x2048xf32>
    %add3A_88 = arith.addf %min3A_69, %mul3A_85 : vector<4x2048xf32>
    %add3A_89 = arith.addf %min3A_79, %mul3A_85 : vector<4x2048xf32>
    %sub3A_90 = arith.subf %add3A_88, %add3A_86 : vector<4x2048xf32>
    %sub3A_91 = arith.subf %add3A_89, %add3A_87 : vector<4x2048xf32>
    %mul3A_92 = arith.mulf %sub3A_90, %sub3A_91 : vector<4x2048xf32>
    %iota3A = tpu.iota {dimensions = array<i32: 1>} : vector<4x2048xi32>
    %iota3A_93 = tpu.iota {dimensions = array<i32: 1>} : vector<1x256xi32>
    %broadcast_in_dim3A = arith.constant 0.000000e+00 : f32
    %broadcast_in_dim3A_94 = vector.broadcast %broadcast_in_dim3A : f32 to vector<4x256xf32>
    %get3A_95 = arith.constant 0 : index
    %get3A_96 = arith.constant 0 : index
    %get3A_97 = vector.load %arg9[%get3A_95, %get3A_96] : memref<4x2048xf32, #tpu.memory_space<vmem>>, vector<4x2048xf32>
    %scan3A = arith.constant 0 : i32
    %scan3A_98 = arith.constant 200 : i32
    %scan3A_99 = arith.addi %scan3A, %scan3A_98 : i32
    %scan3A_100 = arith.constant 1 : i32
    %scan3A_101:7 = scf.for %scan3A_120 = %scan3A to %scan3A_99 step %scan3A_100 iter_args(%scan3A_121 = %get3A_97, %scan3A_122 = %broadcast_in_dim3A_94, %scan3A_123 = %broadcast_in_dim3A_94, %scan3A_124 = %broadcast_in_dim3A_94, %scan3A_125 = %broadcast_in_dim3A_94, %scan3A_126 = %broadcast_in_dim3A_94, %scan3A_127 = %broadcast_in_dim3A_94) -> (vector<4x2048xf32>, vector<4x256xf32>, vector<4x256xf32>, vector<4x256xf32>, vector<4x256xf32>, vector<4x256xf32>, vector<4x256xf32>)  : i32 {
      %reduce_max3A = arith.constant dense<0xFF800000> : vector<4xf32>
      %reduce_max3A_128 = vector.multi_reduction <maximumf>, %scan3A_121, %reduce_max3A [1] : vector<4x2048xf32> to vector<4xf32>
      %broadcast_in_dim3A_129 = vector.shape_cast %reduce_max3A_128 : vector<4xf32> to vector<4x1xf32>
      %eq3A = vector.broadcast %broadcast_in_dim3A_129 : vector<4x1xf32> to vector<4x2048xf32>
      %eq3A_130 = arith.cmpf oeq, %scan3A_121, %eq3A : vector<4x2048xf32>
      %jit3A_131 = arith.constant 2048 : i32
      %broadcast_in_dim3A_132 = vector.broadcast %jit3A_131 : i32 to vector<4x2048xi32>
      %select_n3A = arith.select %eq3A_130, %iota3A, %broadcast_in_dim3A_132 : vector<4x2048xi1>, vector<4x2048xi32>
      %reduce_min3A = arith.constant dense<2147483647> : vector<4xi32>
      %reduce_min3A_133 = vector.multi_reduction <minsi>, %select_n3A, %reduce_min3A [1] : vector<4x2048xi32> to vector<4xi32>
      %broadcast_in_dim3A_134 = vector.shape_cast %reduce_min3A_133 : vector<4xi32> to vector<4x1xi32>
      %eq3A_135 = vector.broadcast %broadcast_in_dim3A_134 : vector<4x1xi32> to vector<4x2048xi32>
      %eq3A_136 = arith.cmpi eq, %iota3A, %eq3A_135 : vector<4x2048xi32>
      %convert_element_type3A = arith.extui %eq3A_136 : vector<4x2048xi1> to vector<4x2048xi32>
      %convert_element_type3A_137 = arith.sitofp %convert_element_type3A : vector<4x2048xi32> to vector<4x2048xf32>
      %mul3A_138 = arith.mulf %min3A_49, %convert_element_type3A_137 : vector<4x2048xf32>
      %reduce_sum3A = arith.constant dense<0.000000e+00> : vector<4xf32>
      %reduce_sum3A_139 = vector.multi_reduction <add>, %mul3A_138, %reduce_sum3A [1] : vector<4x2048xf32> to vector<4xf32>
      %broadcast_in_dim3A_140 = vector.shape_cast %reduce_sum3A_139 : vector<4xf32> to vector<4x1xf32>
      %mul3A_141 = arith.mulf %min3A_59, %convert_element_type3A_137 : vector<4x2048xf32>
      %reduce_sum3A_142 = arith.constant dense<0.000000e+00> : vector<4xf32>
      %reduce_sum3A_143 = vector.multi_reduction <add>, %mul3A_141, %reduce_sum3A_142 [1] : vector<4x2048xf32> to vector<4xf32>
      %broadcast_in_dim3A_144 = vector.shape_cast %reduce_sum3A_143 : vector<4xf32> to vector<4x1xf32>
      %mul3A_145 = arith.mulf %min3A_69, %convert_element_type3A_137 : vector<4x2048xf32>
      %reduce_sum3A_146 = arith.constant dense<0.000000e+00> : vector<4xf32>
      %reduce_sum3A_147 = vector.multi_reduction <add>, %mul3A_145, %reduce_sum3A_146 [1] : vector<4x2048xf32> to vector<4xf32>
      %broadcast_in_dim3A_148 = vector.shape_cast %reduce_sum3A_147 : vector<4xf32> to vector<4x1xf32>
      %mul3A_149 = arith.mulf %min3A_79, %convert_element_type3A_137 : vector<4x2048xf32>
      %reduce_sum3A_150 = arith.constant dense<0.000000e+00> : vector<4xf32>
      %reduce_sum3A_151 = vector.multi_reduction <add>, %mul3A_149, %reduce_sum3A_150 [1] : vector<4x2048xf32> to vector<4xf32>
      %broadcast_in_dim3A_152 = vector.shape_cast %reduce_sum3A_151 : vector<4xf32> to vector<4x1xf32>
      %mul3A_153 = arith.mulf %get3A_82, %convert_element_type3A_137 : vector<4x2048xf32>
      %reduce_sum3A_154 = arith.constant dense<0.000000e+00> : vector<4xf32>
      %reduce_sum3A_155 = vector.multi_reduction <add>, %mul3A_153, %reduce_sum3A_154 [1] : vector<4x2048xf32> to vector<4xf32>
      %broadcast_in_dim3A_156 = vector.shape_cast %reduce_sum3A_155 : vector<4xf32> to vector<4x1xf32>
      %mul3A_157 = arith.constant 1.000000e+04 : f32
      %mul3A_158 = vector.broadcast %mul3A_157 : f32 to vector<4x1xf32>
      %mul3A_159 = arith.mulf %broadcast_in_dim3A_156, %mul3A_158 : vector<4x1xf32>
      %add3A_160 = arith.addf %broadcast_in_dim3A_140, %mul3A_159 : vector<4x1xf32>
      %add3A_161 = arith.addf %broadcast_in_dim3A_144, %mul3A_159 : vector<4x1xf32>
      %add3A_162 = arith.addf %broadcast_in_dim3A_148, %mul3A_159 : vector<4x1xf32>
      %add3A_163 = arith.addf %broadcast_in_dim3A_152, %mul3A_159 : vector<4x1xf32>
      %sub3A_164 = arith.subf %add3A_162, %add3A_160 : vector<4x1xf32>
      %sub3A_165 = arith.subf %add3A_163, %add3A_161 : vector<4x1xf32>
      %mul3A_166 = arith.mulf %sub3A_164, %sub3A_165 : vector<4x1xf32>
      %max3A_167 = vector.broadcast %add3A_160 : vector<4x1xf32> to vector<4x2048xf32>
      %max3A_168 = arith.maximumf %max3A_167, %add3A_86 : vector<4x2048xf32>
      %max3A_169 = vector.broadcast %add3A_161 : vector<4x1xf32> to vector<4x2048xf32>
      %max3A_170 = arith.maximumf %max3A_169, %add3A_87 : vector<4x2048xf32>
      %min3A_171 = vector.broadcast %add3A_162 : vector<4x1xf32> to vector<4x2048xf32>
      %min3A_172 = arith.minimumf %min3A_171, %add3A_88 : vector<4x2048xf32>
      %min3A_173 = vector.broadcast %add3A_163 : vector<4x1xf32> to vector<4x2048xf32>
      %min3A_174 = arith.minimumf %min3A_173, %add3A_89 : vector<4x2048xf32>
      %sub3A_175 = arith.subf %min3A_172, %max3A_168 : vector<4x2048xf32>
      %jit3A_176 = arith.constant 0.000000e+00 : f32
      %max3A_177 = vector.broadcast %jit3A_176 : f32 to vector<4x2048xf32>
      %max3A_178 = arith.maximumf %max3A_177, %sub3A_175 : vector<4x2048xf32>
      %sub3A_179 = arith.subf %min3A_174, %max3A_170 : vector<4x2048xf32>
      %jit3A_180 = arith.constant 0.000000e+00 : f32
      %max3A_181 = vector.broadcast %jit3A_180 : f32 to vector<4x2048xf32>
      %max3A_182 = arith.maximumf %max3A_181, %sub3A_179 : vector<4x2048xf32>
      %mul3A_183 = arith.mulf %max3A_178, %max3A_182 : vector<4x2048xf32>
      %add3A_184 = vector.broadcast %mul3A_166 : vector<4x1xf32> to vector<4x2048xf32>
      %add3A_185 = arith.addf %add3A_184, %mul3A_92 : vector<4x2048xf32>
      %sub3A_186 = arith.subf %add3A_185, %mul3A_183 : vector<4x2048xf32>
      %max3A_187 = arith.constant 9.99999971E-10 : f32
      %max3A_188 = vector.broadcast %max3A_187 : f32 to vector<4x2048xf32>
      %max3A_189 = arith.maximumf %sub3A_186, %max3A_188 : vector<4x2048xf32>
      %div3A = arith.divf %mul3A_183, %max3A_189 : vector<4x2048xf32>
      %gt3A = arith.constant 6.500000e-01 : f32
      %gt3A_190 = vector.broadcast %gt3A : f32 to vector<4x2048xf32>
      %gt3A_191 = arith.cmpf ogt, %div3A, %gt3A_190 : vector<4x2048xf32>
      %eq3A_192 = vector.broadcast %broadcast_in_dim3A_134 : vector<4x1xi32> to vector<4x2048xi32>
      %eq3A_193 = arith.cmpi eq, %iota3A, %eq3A_192 : vector<4x2048xi32>
      %or3A = arith.ori %gt3A_191, %eq3A_193 : vector<4x2048xi1>
      %jit3A_194 = arith.constant -1.000000e+00 : f32
      %broadcast_in_dim3A_195 = vector.broadcast %jit3A_194 : f32 to vector<4x2048xf32>
      %select_n3A_196 = arith.select %or3A, %broadcast_in_dim3A_195, %scan3A_121 : vector<4x2048xi1>, vector<4x2048xf32>
      %gt3A_197 = arith.constant 0.000000e+00 : f32
      %gt3A_198 = vector.broadcast %gt3A_197 : f32 to vector<4x1xf32>
      %gt3A_199 = arith.cmpf ogt, %broadcast_in_dim3A_129, %gt3A_198 : vector<4x1xf32>
      %convert_element_type3A_200 = arith.extui %gt3A_199 : vector<4x1xi1> to vector<4x1xi32>
      %convert_element_type3A_201 = arith.sitofp %convert_element_type3A_200 : vector<4x1xi32> to vector<4x1xf32>
      %eq3A_202 = vector.broadcast %scan3A_120 : i32 to vector<1x256xi32>
      %eq3A_203 = arith.cmpi eq, %iota3A_93, %eq3A_202 : vector<1x256xi32>
      %convert_element_type3A_204 = arith.extui %eq3A_203 : vector<1x256xi1> to vector<1x256xi32>
      %convert_element_type3A_205 = arith.sitofp %convert_element_type3A_204 : vector<1x256xi32> to vector<1x256xf32>
      %mul3A_206 = arith.mulf %convert_element_type3A_201, %broadcast_in_dim3A_140 : vector<4x1xf32>
      %mul3A_207 = vector.broadcast %mul3A_206 : vector<4x1xf32> to vector<4x256xf32>
      %mul3A_208 = vector.broadcast %convert_element_type3A_205 : vector<1x256xf32> to vector<4x256xf32>
      %mul3A_209 = arith.mulf %mul3A_207, %mul3A_208 : vector<4x256xf32>
      %add3A_210 = arith.addf %scan3A_122, %mul3A_209 : vector<4x256xf32>
      %mul3A_211 = arith.mulf %convert_element_type3A_201, %broadcast_in_dim3A_144 : vector<4x1xf32>
      %mul3A_212 = vector.broadcast %mul3A_211 : vector<4x1xf32> to vector<4x256xf32>
      %mul3A_213 = vector.broadcast %convert_element_type3A_205 : vector<1x256xf32> to vector<4x256xf32>
      %mul3A_214 = arith.mulf %mul3A_212, %mul3A_213 : vector<4x256xf32>
      %add3A_215 = arith.addf %scan3A_123, %mul3A_214 : vector<4x256xf32>
      %mul3A_216 = arith.mulf %convert_element_type3A_201, %broadcast_in_dim3A_148 : vector<4x1xf32>
      %mul3A_217 = vector.broadcast %mul3A_216 : vector<4x1xf32> to vector<4x256xf32>
      %mul3A_218 = vector.broadcast %convert_element_type3A_205 : vector<1x256xf32> to vector<4x256xf32>
      %mul3A_219 = arith.mulf %mul3A_217, %mul3A_218 : vector<4x256xf32>
      %add3A_220 = arith.addf %scan3A_124, %mul3A_219 : vector<4x256xf32>
      %mul3A_221 = arith.mulf %convert_element_type3A_201, %broadcast_in_dim3A_152 : vector<4x1xf32>
      %mul3A_222 = vector.broadcast %mul3A_221 : vector<4x1xf32> to vector<4x256xf32>
      %mul3A_223 = vector.broadcast %convert_element_type3A_205 : vector<1x256xf32> to vector<4x256xf32>
      %mul3A_224 = arith.mulf %mul3A_222, %mul3A_223 : vector<4x256xf32>
      %add3A_225 = arith.addf %scan3A_125, %mul3A_224 : vector<4x256xf32>
      %mul3A_226 = arith.mulf %convert_element_type3A_201, %broadcast_in_dim3A_129 : vector<4x1xf32>
      %mul3A_227 = vector.broadcast %mul3A_226 : vector<4x1xf32> to vector<4x256xf32>
      %mul3A_228 = vector.broadcast %convert_element_type3A_205 : vector<1x256xf32> to vector<4x256xf32>
      %mul3A_229 = arith.mulf %mul3A_227, %mul3A_228 : vector<4x256xf32>
      %add3A_230 = arith.addf %scan3A_126, %mul3A_229 : vector<4x256xf32>
      %mul3A_231 = arith.mulf %convert_element_type3A_201, %broadcast_in_dim3A_156 : vector<4x1xf32>
      %mul3A_232 = vector.broadcast %mul3A_231 : vector<4x1xf32> to vector<4x256xf32>
      %mul3A_233 = vector.broadcast %convert_element_type3A_205 : vector<1x256xf32> to vector<4x256xf32>
      %mul3A_234 = arith.mulf %mul3A_232, %mul3A_233 : vector<4x256xf32>
      %add3A_235 = arith.addf %scan3A_127, %mul3A_234 : vector<4x256xf32>
      scf.yield %select_n3A_196, %add3A_210, %add3A_215, %add3A_220, %add3A_225, %add3A_230, %add3A_235 : vector<4x2048xf32>, vector<4x256xf32>, vector<4x256xf32>, vector<4x256xf32>, vector<4x256xf32>, vector<4x256xf32>, vector<4x256xf32>
    }
    %scan3A_102 = arith.constant 200 : i32
    %swap3A = arith.constant 0 : index
    %swap3A_103 = arith.constant 0 : index
    %swap3A_104 = vector.load %arg10[%swap3A, %swap3A_103] : memref<4x256xf32, #tpu.memory_space<vmem>>, vector<4x256xf32>
    tpu.vector_store %arg10[%swap3A, %swap3A_103], %scan3A_101#1 {strides = array<i32>} : memref<4x256xf32, #tpu.memory_space<vmem>>, vector<4x256xf32>,
    %swap3A_105 = arith.constant 0 : index
    %swap3A_106 = arith.constant 0 : index
    %swap3A_107 = vector.load %arg11[%swap3A_105, %swap3A_106] : memref<4x256xf32, #tpu.memory_space<vmem>>, vector<4x256xf32>
    tpu.vector_store %arg11[%swap3A_105, %swap3A_106], %scan3A_101#2 {strides = array<i32>} : memref<4x256xf32, #tpu.memory_space<vmem>>, vector<4x256xf32>,
    %swap3A_108 = arith.constant 0 : index
    %swap3A_109 = arith.constant 0 : index
    %swap3A_110 = vector.load %arg12[%swap3A_108, %swap3A_109] : memref<4x256xf32, #tpu.memory_space<vmem>>, vector<4x256xf32>
    tpu.vector_store %arg12[%swap3A_108, %swap3A_109], %scan3A_101#3 {strides = array<i32>} : memref<4x256xf32, #tpu.memory_space<vmem>>, vector<4x256xf32>,
    %swap3A_111 = arith.constant 0 : index
    %swap3A_112 = arith.constant 0 : index
    %swap3A_113 = vector.load %arg13[%swap3A_111, %swap3A_112] : memref<4x256xf32, #tpu.memory_space<vmem>>, vector<4x256xf32>
    tpu.vector_store %arg13[%swap3A_111, %swap3A_112], %scan3A_101#4 {strides = array<i32>} : memref<4x256xf32, #tpu.memory_space<vmem>>, vector<4x256xf32>,
    %swap3A_114 = arith.constant 0 : index
    %swap3A_115 = arith.constant 0 : index
    %swap3A_116 = vector.load %arg14[%swap3A_114, %swap3A_115] : memref<4x256xf32, #tpu.memory_space<vmem>>, vector<4x256xf32>
    tpu.vector_store %arg14[%swap3A_114, %swap3A_115], %scan3A_101#5 {strides = array<i32>} : memref<4x256xf32, #tpu.memory_space<vmem>>, vector<4x256xf32>,
    %swap3A_117 = arith.constant 0 : index
    %swap3A_118 = arith.constant 0 : index
    %swap3A_119 = vector.load %arg15[%swap3A_117, %swap3A_118] : memref<4x256xf32, #tpu.memory_space<vmem>>, vector<4x256xf32>
    tpu.vector_store %arg15[%swap3A_117, %swap3A_118], %scan3A_101#6 {strides = array<i32>} : memref<4x256xf32, #tpu.memory_space<vmem>>, vector<4x256xf32>,
    return
  }
}

</mosaic_0001>

<sc_bundles>
// kernel: gather_offload_async_start.1
scs
__scs_entry_jumppad:
0x0: {  	(pc) =	sbr.rel $0x88, $3  }
0x1: {  	(tag) =	ssettag $0x0;
	lr =	simm.s32 $0x1  }
0x2: {  	[smem:$0x3F9F] =	sst lr;
	_ =	strace $0xD0000000  }
0x3: {  	_ = 	snop  }
0x4: {  	_ = 	snop  }
0x5: {  	_ = 	snop  }
0x6: {  	_ = 	snop  }
0x7: {  	_ = 	snop  }
__scs_overlays_trampoline_lowered:
0x8: {  	[smem:$0x3FAE] =	sst s0  }
0x9: {  	[smem:$0x3FAF] =	sst s1  }
0xa: {  	[smem:$0x3FB0] =	sst s2  }
0xb: {  	[smem:$0x3FB1] =	sst s3  }
0xc: {  	[smem:$0x3FB2] =	sst s4  }
0xd: {  	[smem:$0x3FB3] =	sst s5  }
0xe: {  	[smem:$0x3FB4] =	sst s6  }
0xf: {  	[smem:$0x3FB5] =	sst s7  }
0x10: {  	[smem:$0x3FB6] =	sst s8  }
0x11: {  	[smem:$0x3FB7] =	sst s9;
	s0 =	simm.s32 @!p0 $0x0  }
0x12: {  	s1 =	sld [smem:$0x3F9D];
	s0 =	simm.s32 @p0 $0x1  }
0x13: {  	[smem:$0x3FB8] =	sst s0;
	s0 =	simm.s32 @!p1 $0x0  }
0x14: {  	s2 =	sld [smem:$0x3F9C];
	s0 =	simm.s32 @p1 $0x1  }
0x15: {  	[smem:$0x3FB9] =	sst s0;
	s0 =	simm.s32 @!p2 $0x0  }
0x16: {  	s3 =	sld [smem:$0x3FDB];
	s0 =	simm.s32 @p2 $0x1  }
0x17: {  	s4 =	simm.s32 $0x1BF5;
	[smem:$0x3FBB] =	sst s0  }
0x18: {  	s0 =	sld [smem:$0x3F9E];
	_ =	swait.ge [sflag:s4], $0x0  }
0x19: {  	s7 =	sld [smem:$0x3F9F]  }
0x1a: {  	s8 =	sadd.s32 $0xFFFFE003, lr  }
0x1b: {  	s9 =	sadd.s32 $0xFFFFFEF7, lr;
	s5 =	simm.s32 $0xFFFFFFFF;
	p2 =	slt.u32 s8, $0xFFFFF086  }
0x1c: {  	p1 =	slt.u32 s9, $0xF7A;
	s5 =	simm.s32 @!p2 $0x0  }
0x1d: {  	s5 =	simm.s32 @p1 $0x1;
	p0 =	seq.s32 s7, s2  }
0x1e: {  	s7 =	smul.u32 @!p0 $0xF7A, s2;
	p2 =	seq.s32 @!p0 s5, $0x0  }
0x1f: {  	s9 =	smul.u32 $0xF7A, s1;
	s8 =	simm.s32 @!p0 $0x1BF5;
	p2 =	por !p2, p0  }
0x20: {  	[sflag:s8] =	ssyncset.s32 @!p0 $0xFFFFF086;
	s6 =	sadd.s32 @!p0 s3, s7;
	s7 =	simm.s32 @!p0 $0x108  }
0x21: {  	s3 =	sadd.s32 s3, s9;
	s6 =	sadd.s32 @!p0 $0x88, s6;
	s7 =	simm.s32 @p2 $0x1082  }
0x22: {  	[simem:s7], [sflag:s8] =	dma.local @!p0 [hbm:s6], $0xF7A  }
0x23: {  	s9 =	sor.u32 $0xD0000000, s2;
	s6 =	simm.s32 $0x108;
	_ =	swait.ge @!p0 [sflag:s8], $0x0  }
0x24: {  	s3 =	sadd.s32 $0x88, s3;
	s6 =	simm.s32 @!p1 $0x1082;
	[sflag:s4] =	ssyncset.s32 $0xFFFFF086  }
0x25: {  	[simem:s6], [sflag:s4] =	dma.local [hbm:s3], $0xF7A  }
0x26: {  	[smem:$0x3F9F] =	sst s1;
	(tag) =	ssettag s2;
	_ =	strace s9  }
0x27: {  	s1 =	sld [smem:$0x3FAF]  }
0x28: {  	s2 =	sld [smem:$0x3FB0]  }
0x29: {  	s4 =	sld [smem:$0x3FB2]  }
0x2a: {  	p0 =	seq.s32 s5, $0x0;
	s5 =	sld [smem:$0x3FB3]  }
0x2b: {  	s6 =	sld [smem:$0x3FB4]  }
0x2c: {  	s7 =	sld [smem:$0x3FB5]  }
0x2d: {  	s3 =	simm.s32 $0x108;
	s8 =	sld [smem:$0x3FB6]  }
0x2e: {  	s3 =	simm.s32 @!p0 $0x1082;
	s9 =	sld [smem:$0x3FB7]  }
0x2f: {  	lr =	sadd.s32 s0, s3;
	s0 =	sld [smem:$0x3FAE]  }
0x30: {  	s3 =	sld [smem:$0x3FB1]  }
0x31: {  	[smem:$0x3FBA] =	sst s10  }
0x32: {  	s10 =	sld [smem:$0x3FB8];
	_ =	sdelay $0x3  }
0x33: {  	p0 =	seq.s32 s10, $0x1;
	s10 =	sld [smem:$0x3FBA];
	_ =	sdelay $0x3  }
0x34: {  	[smem:$0x3FBA] =	sst s10  }
0x35: {  	s10 =	sld [smem:$0x3FB9];
	_ =	sdelay $0x3  }
0x36: {  	p1 =	seq.s32 s10, $0x1;
	s10 =	sld [smem:$0x3FBA];
	_ =	sdelay $0x3  }
0x37: {  	[smem:$0x3FBA] =	sst s10  }
0x38: {  	s10 =	sld [smem:$0x3FBB]  }
0x39: {  	_ = 	snop;
	(pc) =	sbr.ind lr, $3  }
0x3a: {  	_ = 	snop  }
0x3b: {  	_ = 	snop  }
0x3c: {  	p2 =	seq.s32 s10, $0x1;
	s10 =	sld [smem:$0x3FBA]  }
0x3d: {  	_ =	shalt  }
0x3e: {  	_ =	shalt  }
0x3f: {  	_ =	shalt  }
0x40: {  	_ =	shalt  }
0x41: {  	_ =	shalt  }
0x42: {  	_ =	shalt  }
0x43: {  	_ =	shalt  }
0x44: {  	_ =	shalt  }
0x45: {  	_ =	shalt  }
0x46: {  	_ =	shalt  }
0x47: {  	_ =	shalt  }
0x48: {  	_ =	shalt  }
0x49: {  	_ =	shalt  }
0x4a: {  	_ =	shalt  }
0x4b: {  	_ =	shalt  }
0x4c: {  	_ =	shalt  }
0x4d: {  	_ =	shalt  }
0x4e: {  	_ =	shalt  }
0x4f: {  	_ =	shalt  }
0x50: {  	_ =	shalt  }
0x51: {  	_ =	shalt  }
0x52: {  	_ =	shalt  }
0x53: {  	_ =	shalt  }
0x54: {  	_ =	shalt  }
0x55: {  	_ =	shalt  }
0x56: {  	_ =	shalt  }
0x57: {  	_ =	shalt  }
0x58: {  	_ =	shalt  }
0x59: {  	_ =	shalt  }
0x5a: {  	_ =	shalt  }
0x5b: {  	_ =	shalt  }
0x5c: {  	_ =	shalt  }
0x5d: {  	_ =	shalt  }
0x5e: {  	_ =	shalt  }
0x5f: {  	_ =	shalt  }
0x60: {  	_ =	shalt  }
0x61: {  	_ =	shalt  }
0x62: {  	_ =	shalt  }
0x63: {  	_ =	shalt  }
0x64: {  	_ =	shalt  }
0x65: {  	_ =	shalt  }
0x66: {  	_ =	shalt  }
0x67: {  	_ =	shalt  }
0x68: {  	_ =	shalt  }
0x69: {  	_ =	shalt  }
0x6a: {  	_ =	shalt  }
0x6b: {  	_ =	shalt  }
0x6c: {  	_ =	shalt  }
0x6d: {  	_ =	shalt  }
0x6e: {  	_ =	shalt  }
0x6f: {  	_ =	shalt  }
0x70: {  	_ =	shalt  }
0x71: {  	_ =	shalt  }
0x72: {  	_ =	shalt  }
0x73: {  	_ =	shalt  }
0x74: {  	_ =	shalt  }
0x75: {  	_ =	shalt  }
0x76: {  	_ =	shalt  }
0x77: {  	_ =	shalt  }
0x78: {  	_ =	shalt  }
0x79: {  	_ =	shalt  }
0x7a: {  	_ =	shalt  }
0x7b: {  	_ =	shalt  }
0x7c: {  	_ =	shalt  }
0x7d: {  	_ =	shalt  }
0x7e: {  	_ =	shalt  }
0x7f: {  	_ =	shalt  }
0x80: {  	_ =	shalt  }
0x81: {  	_ =	shalt  }
0x82: {  	_ =	shalt  }
0x83: {  	_ =	shalt  }
0x84: {  	_ =	shalt  }
0x85: {  	_ =	shalt  }
0x86: {  	_ =	shalt  }
0x87: {  	_ =	shalt  }
.Lfunc_end0:
.L_simem_size_0:
called_computation.1_lowered:
.L_overlay_start_0:
0x88: {  	s2 =	sld [smem:$0x3FD9]  }
0x89: {  	s3 =	sld [smem:$0x3FFE];
	_ =	sdelay $0x1  }
0x8a: {  	s1 =	srdreg.scid  }
0x8b: {  	s0 =	sand.u32 $0x1, s1  }
0x8c: {  	s17 =	sshll.u32 s0, $0xA;
	s2 =	sadd.s32 s3, s2  }
0x8d: {  	s2 =	sadd.s32 s2, s17  }
0x8e: {  	[smem:$0x3FC6] =	sst s2  }
0x8f: {  	_ = 	snop  }
0x90: {  	(tm) =	ssettm $0x1  }
0x91: {  	s18 =	sld [smem:$0x3FFB];
	_ =	sdelay $0x3  }
0x92: {  	_ =	strace s18  }
0x93: {  	s2 =	sld [smem:$0x3FFC];
	_ =	sdelay $0x3  }
0x94: {  	_ =	strace s2  }
0x95: {  	s2 =	sld [smem:$0x3FFD];
	_ =	sdelay $0x3  }
0x96: {  	_ =	strace s2  }
0x97: {  	_ =	strace $0x8FFFFFFF  }
0x98: {  	s19 =	sld [smem:$0x3FDB];
	_ =	sdelay $0x1  }
0x99: {  	s20 =	simm.s32 $_scs_section_size  }
0x9a: {  	s4 =	simm.s32 $_size__tile_overlayer_lowered;
	s5 =	simm.s32 $_tile_overlayer_lowered  }
0x9b: {  	s6 =	simm.s32 $0x1BFF;
	s21 =	sshll.u32 s5, $0x1;
	s3 =	sadd.s32 s20, s19  }
0x9c: {  	s22 =	simm.s32 $0x0;
	s4 =	sshll.u32 s4, $0x1;
	s5 =	sadd.s32 s21, s3  }
0x9d: {  	[timem:s22], [sflag:s6] =	dma.local [hbm:s5], s4  }
0x9e: {  	_ =	swait.ge [sflag:s6], s4  }
0x9f: {  	s4 =	ssub.s32 $0x0, s4;
	[sflag:s6] =	ssyncset.done $0x0  }
0xa0: {  	[sflag:s6] =	ssyncadd.s32 s4;
	_ =	sdelay $0x1  }
0xa1: {  	s23 =	simm.s32 $0x1B8B  }
0xa2: {  	_ =	swait.ge [sflag:s23], $0x1  }
0xa3: {  	[sflag:s23] =	ssyncset.done $0x0  }
0xa4: {  	[sflag:s23] =	ssyncadd.s32 $0xFFFFFFFF  }
0xa5: {  	s4 =	sld [smem:$0x0]  }
0xa6: {  	s5 =	sand.u32 $0xFFFFFFFE, s1  }
0xa7: {  	p0 =	sne.s32 s1, s5  }
0xa8: {  	s5 =	sshll.u32 @p0 s5, $0xE  }
0xa9: {  	s5 =	sadd.s32 @p0 $0x11B8D, s5;
	s6 =	sshll.u32 @p0 s4, $0x11  }
0xaa: {  	s5 =	sor.u32 @p0 s6, s5  }
0xab: {  	[sflag:s5] =	ssyncadd.remote.s32 @p0 $0x1;
	_ =	sdelay $0x1  }
0xac: {  	s5 =	simm.s32 @p0 $0x1B8D  }
0xad: {  	_ =	swait.eq @p0 [sflag:s5], $0x1  }
0xae: {  	[sflag:s5] =	ssyncadd.s32 @p0 $0xFFFFFFFF  }
0xaf: {  	s6 =	sshll.u32 @!p0 s1, $0xE  }
0xb0: {  	s6 =	sor.u32 @!p0 $0x4000, s6;
	s5 =	simm.s32 @!p0 $0x1B8D  }
0xb1: {  	s4 =	sshll.u32 @!p0 s4, $0x11;
	s6 =	sadd.s32 @!p0 $0x11B8D, s6;
	_ =	swait.eq @!p0 [sflag:s5], $0x1  }
0xb2: {  	s4 =	sor.u32 @!p0 s4, s6;
	[sflag:s5] =	ssyncadd.s32 @!p0 $0xFFFFFFFF  }
0xb3: {  	s25 =	simm.s32 $0x1B8E;
	s24 =	sld [smem:$0x3FFE];
	[sflag:s4] =	ssyncadd.remote.s32 @!p0 $0x1  }
0xb4: {  	s26 =	simm.s32 $execute0_lowered;
	[smem:$0x3FD2] =	sst s25  }
0xb5: {  	s5 =	sshll.u32 s26, $0x1;
	_ =	strace $0x80000049;
	[dreg:$0x1] =	wrdreg $0xFFFFFFFF  }
0xb6: {  	s28 =	simm.s32 $_size_execute0_lowered;
	s3 =	sadd.s32 s3, s5;
	[dreg:$0x0] =	wrdreg $0x0  }
0xb7: {  	s5 =	sshll.u32 s28, $0x1;
	[dreg:$0x2] =	wrdreg s3  }
0xb8: {  	[dreg:$0x3] =	wrdreg s5  }
0xb9: {  	[dreg:$0x4] =	wrdreg $0xC0  }
0xba: {  	_ =	task [dreg:s22], $0x5FFFF  }
0xbb: {  	[dreg:$0x1] =	wrdreg $0xFFFFFFFF  }
0xbc: {  	[dreg:$0x0] =	wrdreg $0x60  }
0xbd: {  	[dreg:$0x2] =	wrdreg s24  }
0xbe: {  	[dreg:$0x3] =	wrdreg $0xA  }
0xbf: {  	_ =	task.clear_ibuf [dreg:s22], $0x4FFFF;
	_ =	strace $0x90000049  }
0xc0: {  	s29 =	simm.s32 $0xA;
	_ =	strace $0x8000004B  }
0xc1: {  	_ =	swait.ge [sflag:s29], $0x1  }
0xc2: {  	[sflag:s29] =	ssyncadd.s32 $0xFFFFFFFF  }
0xc3: {  	_ =	strace $0x9000004B  }
0xc4: {  	_ =	sfence  }
0xc5: {  	s30 =	sld [smem:$0x0];
	_ =	sdelay $0x2  }
0xc6: {  	s31 =	sshll.u32 s1, $0xD;
	s1 =	sshrl.u32 s1, $0x2  }
0xc7: {  	s4 =	sand.u32 $0x4000, s31;
	s1 =	sadd.s32 s1, s30  }
0xc8: {  	s0 =	sor.u32 s4, s0;
	s1 =	sshll.u32 s1, $0x11  }
0xc9: {  	s0 =	sor.u32 s1, s0  }
0xca: {  	s0 =	sadd.s32 $0x8F2B, s0  }
0xcb: {  	[sflag:s0] =	ssyncadd.remote.s32 $0x1  }
0xcc: {  	_ =	sfence.sel $0xFFFF  }
0xcd: {  	[dreg:$0x0] =	wrdreg $0xFFFFFFFF;
	(pc) =	sbr.abs _section_cstart, $3  }
0xce: {  	[dreg:$0x1] =	wrdreg $0xFFFFFFFF  }
0xcf: {  	_ =	task.clear_ibuf [dreg:s22], $0x2FFFF;
	_ =	strace $0x9FFFFFFF  }
0xd0: {  	(tm) =	ssettm $0x7FFFFFFF  }
0xd1: {  	_ =	shalt  }
tec
execute0_lowered:
.L_overlay_start_1:
0x0: {  	(tag) =	ssettag $0x1  }
0x1: {  	s7 =	rddreg [dreg:$0x0]  }
0x2: {  	s0 =	rddreg [dreg:$0x1];
	_ =	strace $0x8000004A  }
0x3: {  	s1 =	srdreg.scid;
	s4 =	simm.s32 $0x1;
	s9 =	simm.s32 $0x3  }
0x4: {  	s12 =	simm.s32 $0x0;
	s10 =	simm.s32 $0x0;
	s5 =	sshll.u32 s1, $0x4  }
.Ltmp0:
0x5: {  	s1 =	stileid.u32;
	s5 =	sand.u32 $0x10, s5;
	(pc) =	sbr.rel .LBB2_1-.Ltmp0, $4  }
0x6: {  	s2 =	sadd.s32 $0x43200, s7;
	s3 =	sadd.s32 $0x42E00, s7;
	s6 =	sor.u32 s1, s5  }
0x7: {  	[sflag:s4] =	ssyncpa.u1 $0x0;
	s5 =	simm.s32 $0x2;
	s6 =	sshll.u32 s6, $0x8  }
0x8: {  	s7 =	sadd.s32 $0xC6600, s7;
	[sflag:s5] =	ssyncpa.u1 $0x0;
	s8 =	sadd.s32 $0x100, s6  }
0x9: {  	vm0 =	vmmov $0xff;
	vm1 =	vcmask $0x3F20;
	[sflag:s9] =	ssyncpa.u1 $0x0;
	s9 =	simm.s32 $0x100;
	s11 =	smov.u32 s6  }
.LBB2_9:
0xa: {  	p0 =	seq.s32 s10, $0x2  }
.Ltmp1:
0xb: {  	_ = 	snop;
	(pc) =	sbr.rel @p0 .LBB2_11-.Ltmp1, $1  }
0xc: {  	_ =	sdelay $0x3  }
.LBB2_10:
0xd: {  	s12 =	sadd.s32 $0x100, s11  }
0xe: {  	s13 =	smov.u32 s6;
	p0 =	slt.s32 s12, s8  }
0xf: {  	s13 =	smov.u32 @p0 s12  }
0x10: {  	s10 =	sadd.s32 $0x1, s10;
	s12 =	smov.u32 s11;
	s11 =	smov.u32 s13  }
.LBB2_1:
0x11: {  	p0 =	sne.s32 s10, $0x0  }
.Ltmp2:
0x12: {  	_ = 	snop;
	(pc) =	sbr.rel @!p0 .LBB2_2-.Ltmp2, $1  }
0x13: {  	_ =	sdelay $0x3  }
0x14: {  	s13 =	sand.u32 $0x1, s10  }
0x15: {  	p0 =	seq.s32 s13, $0x0  }
.Ltmp3:
0x16: {  	_ = 	snop;
	(pc) =	sbr.rel @p0 .LBB2_9-.Ltmp3, $1  }
0x17: {  	_ =	sdelay $0x3  }
0x18: {  	_ =	swait.ge [sflag:s5], $0x100  }
0x19: {  	[sflag:s5] =	ssyncset.done $0x0  }
0x1a: {  	s13 =	simm.s32 $0x0;
	[sflag:s5] =	ssyncadd.s32 $0xFFFFFF00  }
0x1b: {  	v0 =	vld.msk [tilespmem:s13+$0x100 ss:$0x1], $0xffff;
	_ =	sdelay $0x4  }
0x1c: {  	v1 =	vand.u32 $0x3, v0;
	v2 =	vshll.u32 v0, $0x5  }
0x1d: {  	vm2 =	veq.s32 v0, $0x80000000;
	v0 =	vmul.u32 $0x106800, v1;
	v1 =	vand.u32 $0x1FFF80, v2  }
0x1e: {  	v1 =	vsel vm2, $0xFFFFFF80, v1  }
0x1f: {  	v0 =	vsel vm2, $0xFFEF9800, v0;
	v2 =	vand.u32 $0xFFFFFC00, v1  }
0x20: {  	v1 =	vand.u32 $0x380, v1;
	v0 =	vadd.s32 v0, v2  }
0x21: {  	v0 =	vor.u32 v1, v0  }
0x22: {  	v0 =	vshrl.u32 v0, $0x3;
	_ =	sdelay $0x3  }
0x23: {  	s13 =	simm.s32 $0x8200  }
0x24: {  	[tilespmem:s13], [sflag:$0x1] =	stream.indirect_vreg.gather [hbm:s2], $0x80, v0, vm0, $0x38;
	[tilespmem:$0x10200] =	vst v63  }
0x25: {  	s14 =	simm.s32 $0x8600;
	s31 =	simm.s32 $0x10  }
0x26: {  	[tilespmem:s14], [sflag:$0x1] =	stream.indirect_vreg.gather [hbm:s2], $0x80, v0, vm1, $0x38;
	[tilespmem:$0x10200] =	vst v63  }
0x27: {  	s14 =	simm.s32 $0x80;
	v0 =	vld.msk [tilespmem:s31+$0x100 ss:$0x1], $0xffff  }
.LBB2_5:
0x28: {  	p0 =	sne.s32 s14, $0x3C0;
	_ =	sdelay $0x4  }
0x29: {  	v1 =	vand.u32 $0x3, v0;
	v2 =	vshll.u32 v0, $0x5  }
0x2a: {  	vm2 =	veq.s32 v0, $0x80000000;
	v0 =	vmul.u32 $0x106800, v1;
	v1 =	vand.u32 $0x1FFF80, v2  }
0x2b: {  	v1 =	vsel vm2, $0xFFFFFF80, v1  }
0x2c: {  	v0 =	vsel vm2, $0xFFEF9800, v0;
	v2 =	vand.u32 $0xFFFFFC00, v1  }
0x2d: {  	v1 =	vand.u32 $0x380, v1;
	v0 =	vadd.s32 v0, v2  }
0x2e: {  	v0 =	vor.u32 v1, v0  }
0x2f: {  	v0 =	vshrl.u32 v0, $0x3;
	_ =	sdelay $0x3  }
.Ltmp4:
0x30: {  	s13 =	sadd.s32 $0x800, s13;
	(pc) =	sbr.rel @p0 .LBB2_5-.Ltmp4, $4  }
0x31: {  	[tilespmem:s13], [sflag:$0x1] =	stream.indirect_vreg.gather [hbm:s2], $0x80, v0, vm0, $0x38;
	[tilespmem:$0x10200] =	vst v63  }
0x32: {  	s15 =	sshra.s32 s14, $0x2;
	s16 =	sadd.s32 $0x400, s13  }
0x33: {  	[tilespmem:s16], [sflag:$0x1] =	stream.indirect_vreg.gather [hbm:s2], $0x80, v0, vm1, $0x38;
	[tilespmem:$0x10200] =	vst v63  }
0x34: {  	s14 =	sadd.s32 $0x40, s14;
	v0 =	vld.msk [tilespmem:s15+$0x100 ss:$0x1], $0xffff  }
0x35: {  	_ =	sdelay $0x3  }
0x36: {  	v1 =	vand.u32 $0x3, v0;
	v2 =	vshll.u32 v0, $0x5  }
0x37: {  	vm2 =	veq.s32 v0, $0x80000000;
	v61 =	vmul.u32 $0x106800, v1;
	v62 =	vand.u32 $0x1FFF80, v2  }
0x38: {  	v1 =	vsel vm2, $0xFFFFFF80, v62  }
0x39: {  	v0 =	vsel vm2, $0xFFEF9800, v61;
	v63 =	vand.u32 $0xFFFFFC00, v1  }
0x3a: {  	v1 =	vand.u32 $0x380, v1;
	v0 =	vadd.s32 v0, v63  }
0x3b: {  	v0 =	vor.u32 v1, v0  }
0x3c: {  	v0 =	vshrl.u32 v0, $0x3;
	_ =	sdelay $0x3  }
0x3d: {  	s13 =	sadd.s32 $0x800, s13  }
0x3e: {  	[tilespmem:s13], [sflag:$0x1] =	stream.indirect_vreg.gather [hbm:s2], $0x80, v0, vm0, $0x38;
	[tilespmem:$0x10200] =	vst v63  }
0x3f: {  	s13 =	sadd.s32 $0x400, s13  }
0x40: {  	[tilespmem:s13], [sflag:$0x1] =	stream.indirect_vreg.gather [hbm:s2], $0x80, v0, vm1, $0x38;
	[tilespmem:$0x10200] =	vst v63  }
0x41: {  	s12 =	sshll.u32 s12, $0x4;
	s14 =	simm.s32 $0x80;
	_ =	swait.ge [sflag:s4], $0x8000  }
0x42: {  	s15 =	simm.s32 $0x8600;
	s12 =	sadd.s32 s12, s7;
	[sflag:s4] =	ssyncset.done $0x0  }
0x43: {  	s16 =	sadd.s32 $0x0, s12;
	s13 =	simm.s32 $0x8200;
	[sflag:s4] =	ssyncadd.s32 $0xFFFF8000  }
.LBB2_7:
0x44: {  	[hbm:s16] =	stream.linear.scatter [tilespmem:s13], [sflag:$0x3], $0x400, $0x38;
	[tilespmem:$0x10200] =	vst v63  }
0x45: {  	s16 =	smov.u32 s14;
	s13 =	smov.u32 s15;
	p0 =	sne.s32 s14, $0xF80  }
.Ltmp5:
0x46: {  	s14 =	sadd.s32 $0x80, s14;
	(pc) =	sbr.rel @p0 .LBB2_7-.Ltmp5, $2  }
0x47: {  	_ =	sdelay $0x2  }
0x48: {  	s15 =	sadd.s32 $0x400, s15;
	s16 =	sadd.s32 s16, s12  }
.Ltmp6:
0x49: {  	(pc) =	sbr.rel .LBB2_9-.Ltmp6, $2  }
0x4a: {  	_ =	sdelay $0x2  }
0x4b: {  	[hbm:s16] =	stream.linear.scatter [tilespmem:s13], [sflag:$0x3], $0x400, $0x38;
	[tilespmem:$0x10200] =	vst v63  }
.LBB2_2:
.Ltmp7:
0x4c: {  	(pc) =	sbr.rel .LBB2_10-.Ltmp7, $4  }
0x4d: {  	_ = 	snop  }
0x4e: {  	s12 =	sshrl.u32 s11, $0x3  }
0x4f: {  	s13 =	sand.u32 $0x7, s11;
	s12 =	sadd.s32 s3, s12  }
0x50: {  	[tilespmem:s9], [sflag:$0x2] =	stream.linear.gather [hbm4b:s12+s13], $0x100, $0x38;
	[tilespmem:$0x10200] =	vst v63  }
.LBB2_11:
0x51: {  	s2 =	simm.s32 $0x3  }
0x52: {  	_ =	swait.ge [sflag:s2], $0x8000  }
0x53: {  	[sflag:s2] =	ssyncset.done $0x0  }
0x54: {  	[sflag:s2] =	ssyncadd.s32 $0xFFFF8000  }
0x55: {  	_ =	sfence.sel $0x180000  }
0x56: {  	s3 =	simm.s32 $0x2;
	[bflag:$0x0] =	sbarrier.arrive $0xFFFF  }
0x57: {  	[sflag:s3] =	ssyncpa.u1 $0x1  }
0x58: {  	s31 =	simm.s32 $0x1;
	[sflag:s2] =	ssyncpa.u1 $0x1  }
0x59: {  	[sflag:s31] =	ssyncpa.u1 $0x1  }
0x5a: {  	p0 =	sne.s32 s1, $0x0;
	_ =	strace $0x9000004A  }
0x5b: {  	s0 =	sadd.s32 @!p0 $0x100000, s0;
	[bflag:$0x2] =	sbarrier.arrive $0xFFFF  }
0x5c: {  	[sflag:s0] =	ssyncadd.tile.s32 @!p0 $0x1;
	_ =	shalt  }
.Lfunc_end2:
_tile_overlayer_lowered:
.L_overlay_start_2:
0x5d: {  	(tag) =	ssettag $0x2  }
0x5e: {  	s0 =	rddreg [dreg:$0x0];
	s2 =	stileid.u32  }
0x5f: {  	s1 =	rddreg [dreg:$0x1];
	p0 =	sne.s32 s2, $0x0  }
0x60: {  	s3 =	rddreg [dreg:$0x2];
	[bflag:$0x3] =	sbarrier.arrive $0xFFFF;
	s2 =	simm.s32 @!p0 $0x1C01  }
0x61: {  	[timem:s3], [sflag:s2] =	dma.local @!p0 [hbm:s0], s1  }
0x62: {  	s0 =	simm.s32 @!p0 $0x1  }
0x63: {  	_ =	swait.ge @!p0 [sflag:s0], s1  }
0x64: {  	s1 =	ssub.s32 @!p0 $0x0, s1;
	[sflag:s0] =	ssyncset.done @!p0 $0x0  }
0x65: {  	[sflag:s0] =	ssyncadd.s32 @!p0 s1  }
0x66: {  	[bflag:$0x3] =	sbarrier.arrive $0xFFFF  }
0x67: {  	_ =	shalt  }

// kernel: gather_offload_async_start
scs
__scs_entry_jumppad:
0x0: {  	(pc) =	sbr.rel $0x88, $3  }
0x1: {  	(tag) =	ssettag $0x0;
	lr =	simm.s32 $0x1  }
0x2: {  	[smem:$0x3F9F] =	sst lr;
	_ =	strace $0xD0000000  }
0x3: {  	_ = 	snop  }
0x4: {  	_ = 	snop  }
0x5: {  	_ = 	snop  }
0x6: {  	_ = 	snop  }
0x7: {  	_ = 	snop  }
__scs_overlays_trampoline_lowered:
0x8: {  	[smem:$0x3FAE] =	sst s0  }
0x9: {  	[smem:$0x3FAF] =	sst s1  }
0xa: {  	[smem:$0x3FB0] =	sst s2  }
0xb: {  	[smem:$0x3FB1] =	sst s3  }
0xc: {  	[smem:$0x3FB2] =	sst s4  }
0xd: {  	[smem:$0x3FB3] =	sst s5  }
0xe: {  	[smem:$0x3FB4] =	sst s6  }
0xf: {  	[smem:$0x3FB5] =	sst s7  }
0x10: {  	[smem:$0x3FB6] =	sst s8  }
0x11: {  	[smem:$0x3FB7] =	sst s9;
	s0 =	simm.s32 @!p0 $0x0  }
0x12: {  	s1 =	sld [smem:$0x3F9D];
	s0 =	simm.s32 @p0 $0x1  }
0x13: {  	[smem:$0x3FB8] =	sst s0;
	s0 =	simm.s32 @!p1 $0x0  }
0x14: {  	s2 =	sld [smem:$0x3F9C];
	s0 =	simm.s32 @p1 $0x1  }
0x15: {  	[smem:$0x3FB9] =	sst s0;
	s0 =	simm.s32 @!p2 $0x0  }
0x16: {  	s3 =	sld [smem:$0x3FDB];
	s0 =	simm.s32 @p2 $0x1  }
0x17: {  	s4 =	simm.s32 $0x1BF5;
	[smem:$0x3FBB] =	sst s0  }
0x18: {  	s0 =	sld [smem:$0x3F9E];
	_ =	swait.ge [sflag:s4], $0x0  }
0x19: {  	s7 =	sld [smem:$0x3F9F]  }
0x1a: {  	s8 =	sadd.s32 $0xFFFFE003, lr  }
0x1b: {  	s9 =	sadd.s32 $0xFFFFFEF7, lr;
	s5 =	simm.s32 $0xFFFFFFFF;
	p2 =	slt.u32 s8, $0xFFFFF086  }
0x1c: {  	p1 =	slt.u32 s9, $0xF7A;
	s5 =	simm.s32 @!p2 $0x0  }
0x1d: {  	s5 =	simm.s32 @p1 $0x1;
	p0 =	seq.s32 s7, s2  }
0x1e: {  	s7 =	smul.u32 @!p0 $0xF7A, s2;
	p2 =	seq.s32 @!p0 s5, $0x0  }
0x1f: {  	s9 =	smul.u32 $0xF7A, s1;
	s8 =	simm.s32 @!p0 $0x1BF5;
	p2 =	por !p2, p0  }
0x20: {  	[sflag:s8] =	ssyncset.s32 @!p0 $0xFFFFF086;
	s6 =	sadd.s32 @!p0 s3, s7;
	s7 =	simm.s32 @!p0 $0x108  }
0x21: {  	s3 =	sadd.s32 s3, s9;
	s6 =	sadd.s32 @!p0 $0x88, s6;
	s7 =	simm.s32 @p2 $0x1082  }
0x22: {  	[simem:s7], [sflag:s8] =	dma.local @!p0 [hbm:s6], $0xF7A  }
0x23: {  	s9 =	sor.u32 $0xD0000000, s2;
	s6 =	simm.s32 $0x108;
	_ =	swait.ge @!p0 [sflag:s8], $0x0  }
0x24: {  	s3 =	sadd.s32 $0x88, s3;
	s6 =	simm.s32 @!p1 $0x1082;
	[sflag:s4] =	ssyncset.s32 $0xFFFFF086  }
0x25: {  	[simem:s6], [sflag:s4] =	dma.local [hbm:s3], $0xF7A  }
0x26: {  	[smem:$0x3F9F] =	sst s1;
	(tag) =	ssettag s2;
	_ =	strace s9  }
0x27: {  	s1 =	sld [smem:$0x3FAF]  }
0x28: {  	s2 =	sld [smem:$0x3FB0]  }
0x29: {  	s4 =	sld [smem:$0x3FB2]  }
0x2a: {  	p0 =	seq.s32 s5, $0x0;
	s5 =	sld [smem:$0x3FB3]  }
0x2b: {  	s6 =	sld [smem:$0x3FB4]  }
0x2c: {  	s7 =	sld [smem:$0x3FB5]  }
0x2d: {  	s3 =	simm.s32 $0x108;
	s8 =	sld [smem:$0x3FB6]  }
0x2e: {  	s3 =	simm.s32 @!p0 $0x1082;
	s9 =	sld [smem:$0x3FB7]  }
0x2f: {  	lr =	sadd.s32 s0, s3;
	s0 =	sld [smem:$0x3FAE]  }
0x30: {  	s3 =	sld [smem:$0x3FB1]  }
0x31: {  	[smem:$0x3FBA] =	sst s10  }
0x32: {  	s10 =	sld [smem:$0x3FB8];
	_ =	sdelay $0x3  }
0x33: {  	p0 =	seq.s32 s10, $0x1;
	s10 =	sld [smem:$0x3FBA];
	_ =	sdelay $0x3  }
0x34: {  	[smem:$0x3FBA] =	sst s10  }
0x35: {  	s10 =	sld [smem:$0x3FB9];
	_ =	sdelay $0x3  }
0x36: {  	p1 =	seq.s32 s10, $0x1;
	s10 =	sld [smem:$0x3FBA];
	_ =	sdelay $0x3  }
0x37: {  	[smem:$0x3FBA] =	sst s10  }
0x38: {  	s10 =	sld [smem:$0x3FBB]  }
0x39: {  	_ = 	snop;
	(pc) =	sbr.ind lr, $3  }
0x3a: {  	_ = 	snop  }
0x3b: {  	_ = 	snop  }
0x3c: {  	p2 =	seq.s32 s10, $0x1;
	s10 =	sld [smem:$0x3FBA]  }
0x3d: {  	_ =	shalt  }
0x3e: {  	_ =	shalt  }
0x3f: {  	_ =	shalt  }
0x40: {  	_ =	shalt  }
0x41: {  	_ =	shalt  }
0x42: {  	_ =	shalt  }
0x43: {  	_ =	shalt  }
0x44: {  	_ =	shalt  }
0x45: {  	_ =	shalt  }
0x46: {  	_ =	shalt  }
0x47: {  	_ =	shalt  }
0x48: {  	_ =	shalt  }
0x49: {  	_ =	shalt  }
0x4a: {  	_ =	shalt  }
0x4b: {  	_ =	shalt  }
0x4c: {  	_ =	shalt  }
0x4d: {  	_ =	shalt  }
0x4e: {  	_ =	shalt  }
0x4f: {  	_ =	shalt  }
0x50: {  	_ =	shalt  }
0x51: {  	_ =	shalt  }
0x52: {  	_ =	shalt  }
0x53: {  	_ =	shalt  }
0x54: {  	_ =	shalt  }
0x55: {  	_ =	shalt  }
0x56: {  	_ =	shalt  }
0x57: {  	_ =	shalt  }
0x58: {  	_ =	shalt  }
0x59: {  	_ =	shalt  }
0x5a: {  	_ =	shalt  }
0x5b: {  	_ =	shalt  }
0x5c: {  	_ =	shalt  }
0x5d: {  	_ =	shalt  }
0x5e: {  	_ =	shalt  }
0x5f: {  	_ =	shalt  }
0x60: {  	_ =	shalt  }
0x61: {  	_ =	shalt  }
0x62: {  	_ =	shalt  }
0x63: {  	_ =	shalt  }
0x64: {  	_ =	shalt  }
0x65: {  	_ =	shalt  }
0x66: {  	_ =	shalt  }
0x67: {  	_ =	shalt  }
0x68: {  	_ =	shalt  }
0x69: {  	_ =	shalt  }
0x6a: {  	_ =	shalt  }
0x6b: {  	_ =	shalt  }
0x6c: {  	_ =	shalt  }
0x6d: {  	_ =	shalt  }
0x6e: {  	_ =	shalt  }
0x6f: {  	_ =	shalt  }
0x70: {  	_ =	shalt  }
0x71: {  	_ =	shalt  }
0x72: {  	_ =	shalt  }
0x73: {  	_ =	shalt  }
0x74: {  	_ =	shalt  }
0x75: {  	_ =	shalt  }
0x76: {  	_ =	shalt  }
0x77: {  	_ =	shalt  }
0x78: {  	_ =	shalt  }
0x79: {  	_ =	shalt  }
0x7a: {  	_ =	shalt  }
0x7b: {  	_ =	shalt  }
0x7c: {  	_ =	shalt  }
0x7d: {  	_ =	shalt  }
0x7e: {  	_ =	shalt  }
0x7f: {  	_ =	shalt  }
0x80: {  	_ =	shalt  }
0x81: {  	_ =	shalt  }
0x82: {  	_ =	shalt  }
0x83: {  	_ =	shalt  }
0x84: {  	_ =	shalt  }
0x85: {  	_ =	shalt  }
0x86: {  	_ =	shalt  }
0x87: {  	_ =	shalt  }
.Lfunc_end0:
.L_simem_size_0:
called_computation_lowered:
.L_overlay_start_0:
0x88: {  	s2 =	sld [smem:$0x3FD9]  }
0x89: {  	s3 =	sld [smem:$0x3FFE];
	_ =	sdelay $0x1  }
0x8a: {  	s1 =	srdreg.scid  }
0x8b: {  	s0 =	sand.u32 $0x1, s1  }
0x8c: {  	s16 =	sshll.u32 s0, $0xA;
	s2 =	sadd.s32 s3, s2  }
0x8d: {  	s2 =	sadd.s32 s2, s16  }
0x8e: {  	[smem:$0x3FC6] =	sst s2  }
0x8f: {  	_ = 	snop  }
0x90: {  	(tm) =	ssettm $0x1  }
0x91: {  	s17 =	sld [smem:$0x3FFB];
	_ =	sdelay $0x3  }
0x92: {  	_ =	strace s17  }
0x93: {  	s2 =	sld [smem:$0x3FFC];
	_ =	sdelay $0x3  }
0x94: {  	_ =	strace s2  }
0x95: {  	s2 =	sld [smem:$0x3FFD];
	_ =	sdelay $0x3  }
0x96: {  	_ =	strace s2  }
0x97: {  	_ =	strace $0x8FFFFFFF  }
0x98: {  	s18 =	sld [smem:$0x3FDB];
	_ =	sdelay $0x1  }
0x99: {  	s19 =	simm.s32 $_scs_section_size  }
0x9a: {  	s4 =	simm.s32 $_size__tile_overlayer_lowered;
	s5 =	simm.s32 $_tile_overlayer_lowered  }
0x9b: {  	s22 =	simm.s32 $0x1BFF;
	s21 =	sshll.u32 s5, $0x1;
	s2 =	sadd.s32 s19, s18  }
0x9c: {  	s6 =	simm.s32 $0x0;
	s20 =	sshll.u32 s4, $0x1;
	s4 =	sadd.s32 s21, s2  }
0x9d: {  	[timem:s6], [sflag:s22] =	dma.local [hbm:s4], s20  }
0x9e: {  	_ =	swait.ge [sflag:s22], s20  }
0x9f: {  	s3 =	ssub.s32 $0x0, s20;
	[sflag:s22] =	ssyncset.done $0x0  }
0xa0: {  	[sflag:s22] =	ssyncadd.s32 s3;
	_ =	sdelay $0x1  }
0xa1: {  	s23 =	simm.s32 $0x1B8B  }
0xa2: {  	_ =	swait.ge [sflag:s23], $0x1  }
0xa3: {  	[sflag:s23] =	ssyncset.done $0x0  }
0xa4: {  	s25 =	simm.s32 $0x1B8E;
	s24 =	sld [smem:$0x3FFE];
	[sflag:s23] =	ssyncadd.s32 $0xFFFFFFFF  }
0xa5: {  	s26 =	simm.s32 $execute0_lowered;
	[smem:$0x3FD2] =	sst s25  }
0xa6: {  	s4 =	sshll.u32 s26, $0x1;
	_ =	strace $0x80000046;
	[dreg:$0x1] =	wrdreg $0xFFFFFFFF  }
0xa7: {  	s28 =	simm.s32 $_size_execute0_lowered;
	s2 =	sadd.s32 s2, s4;
	[dreg:$0x0] =	wrdreg $0x0  }
0xa8: {  	s4 =	sshll.u32 s28, $0x1;
	[dreg:$0x2] =	wrdreg s2  }
0xa9: {  	[dreg:$0x3] =	wrdreg s4  }
0xaa: {  	[dreg:$0x4] =	wrdreg $0xC0  }
0xab: {  	_ =	task [dreg:s6], $0x5FFFF  }
0xac: {  	[dreg:$0x1] =	wrdreg $0xFFFFFFFF  }
0xad: {  	[dreg:$0x0] =	wrdreg $0x60  }
0xae: {  	[dreg:$0x2] =	wrdreg s24  }
0xaf: {  	[dreg:$0x3] =	wrdreg $0x9  }
0xb0: {  	_ =	task.clear_ibuf [dreg:s6], $0x4FFFF;
	_ =	strace $0x90000046  }
0xb1: {  	s29 =	simm.s32 $0x9;
	_ =	strace $0x80000048  }
0xb2: {  	_ =	swait.ge [sflag:s29], $0x1  }
0xb3: {  	[sflag:s29] =	ssyncadd.s32 $0xFFFFFFFF  }
0xb4: {  	_ =	strace $0x90000048  }
0xb5: {  	_ =	sfence  }
0xb6: {  	s30 =	sld [smem:$0x0];
	_ =	sdelay $0x2  }
0xb7: {  	s31 =	sshll.u32 s1, $0xD;
	s1 =	sshrl.u32 s1, $0x2  }
0xb8: {  	s3 =	sand.u32 $0x4000, s31;
	s1 =	sadd.s32 s1, s30  }
0xb9: {  	s0 =	sor.u32 s3, s0;
	s1 =	sshll.u32 s1, $0x11  }
0xba: {  	s0 =	sor.u32 s1, s0  }
0xbb: {  	s0 =	sadd.s32 $0x8F2B, s0  }
0xbc: {  	[sflag:s0] =	ssyncadd.remote.s32 $0x1  }
0xbd: {  	_ =	sfence.sel $0xFFFF  }
0xbe: {  	[dreg:$0x0] =	wrdreg $0xFFFFFFFF;
	(pc) =	sbr.abs _section_cstart, $3  }
0xbf: {  	[dreg:$0x1] =	wrdreg $0xFFFFFFFF  }
0xc0: {  	_ =	task.clear_ibuf [dreg:s6], $0x2FFFF;
	_ =	strace $0x9FFFFFFF  }
0xc1: {  	(tm) =	ssettm $0x7FFFFFFF  }
tec
execute0_lowered:
.L_overlay_start_1:
0x0: {  	(tag) =	ssettag $0x1  }
0x1: {  	s7 =	rddreg [dreg:$0x0]  }
0x2: {  	s0 =	rddreg [dreg:$0x1];
	_ =	strace $0x80000047  }
0x3: {  	s1 =	srdreg.scid;
	s4 =	simm.s32 $0x1;
	s9 =	simm.s32 $0x3  }
0x4: {  	s12 =	simm.s32 $0x0;
	s10 =	simm.s32 $0x0;
	s5 =	sshll.u32 s1, $0x4  }
.Ltmp0:
0x5: {  	s1 =	stileid.u32;
	s5 =	sand.u32 $0x10, s5;
	(pc) =	sbr.rel .LBB2_1-.Ltmp0, $4  }
0x6: {  	s2 =	sadd.s32 $0x2000, s7;
	s3 =	sadd.s32 $0x1C00, s7;
	s6 =	sor.u32 s1, s5  }
0x7: {  	[sflag:s4] =	ssyncpa.u1 $0x0;
	s5 =	simm.s32 $0x2;
	s6 =	sshll.u32 s6, $0x8  }
0x8: {  	s7 =	sadd.s32 $0x22E00, s7;
	[sflag:s5] =	ssyncpa.u1 $0x0;
	s8 =	sadd.s32 $0x100, s6  }
0x9: {  	vm0 =	vmmov $0xff;
	vm1 =	vcmask $0x3F20;
	[sflag:s9] =	ssyncpa.u1 $0x0;
	s9 =	simm.s32 $0x100;
	s11 =	smov.u32 s6  }
.LBB2_9:
0xa: {  	p0 =	seq.s32 s10, $0x2  }
.Ltmp1:
0xb: {  	_ = 	snop;
	(pc) =	sbr.rel @p0 .LBB2_11-.Ltmp1, $1  }
0xc: {  	_ =	sdelay $0x3  }
.LBB2_10:
0xd: {  	s12 =	sadd.s32 $0x100, s11  }
0xe: {  	s13 =	smov.u32 s6;
	p0 =	slt.s32 s12, s8  }
0xf: {  	s13 =	smov.u32 @p0 s12  }
0x10: {  	s10 =	sadd.s32 $0x1, s10;
	s12 =	smov.u32 s11;
	s11 =	smov.u32 s13  }
.LBB2_1:
0x11: {  	p0 =	sne.s32 s10, $0x0  }
.Ltmp2:
0x12: {  	_ = 	snop;
	(pc) =	sbr.rel @!p0 .LBB2_2-.Ltmp2, $1  }
0x13: {  	_ =	sdelay $0x3  }
0x14: {  	s13 =	sand.u32 $0x1, s10  }
0x15: {  	p0 =	seq.s32 s13, $0x0  }
.Ltmp3:
0x16: {  	_ = 	snop;
	(pc) =	sbr.rel @p0 .LBB2_9-.Ltmp3, $1  }
0x17: {  	_ =	sdelay $0x3  }
0x18: {  	_ =	swait.ge [sflag:s5], $0x100  }
0x19: {  	[sflag:s5] =	ssyncset.done $0x0  }
0x1a: {  	s13 =	simm.s32 $0x0;
	[sflag:s5] =	ssyncadd.s32 $0xFFFFFF00  }
0x1b: {  	v0 =	vld.msk [tilespmem:s13+$0x100 ss:$0x1], $0xffff;
	_ =	sdelay $0x4  }
0x1c: {  	vm2 =	vgt.s32 v0, $0x0  }
0x1d: {  	v0 =	vnsel vm2, $0x0, v0  }
0x1e: {  	v0 =	vmin.u32 v0, $0x20CF  }
0x1f: {  	v0 =	vshll.u32 v0, $0x4;
	_ =	sdelay $0x3  }
0x20: {  	s13 =	simm.s32 $0x8200  }
0x21: {  	[tilespmem:s13], [sflag:$0x1] =	stream.indirect_vreg.gather [hbm:s2], $0x80, v0, vm0, $0x38;
	[tilespmem:$0x10200] =	vst v63  }
0x22: {  	s14 =	simm.s32 $0x8600;
	s31 =	simm.s32 $0x10  }
0x23: {  	[tilespmem:s14], [sflag:$0x1] =	stream.indirect_vreg.gather [hbm:s2], $0x80, v0, vm1, $0x38;
	[tilespmem:$0x10200] =	vst v63  }
0x24: {  	s14 =	simm.s32 $0x80;
	v0 =	vld.msk [tilespmem:s31+$0x100 ss:$0x1], $0xffff  }
.LBB2_5:
0x25: {  	p0 =	sne.s32 s14, $0x3C0;
	_ =	sdelay $0x4  }
0x26: {  	vm2 =	vgt.s32 v0, $0x0  }
0x27: {  	v0 =	vnsel vm2, $0x0, v0  }
0x28: {  	v0 =	vmin.u32 v0, $0x20CF  }
0x29: {  	v0 =	vshll.u32 v0, $0x4;
	_ =	sdelay $0x3  }
.Ltmp4:
0x2a: {  	s13 =	sadd.s32 $0x800, s13;
	(pc) =	sbr.rel @p0 .LBB2_5-.Ltmp4, $4  }
0x2b: {  	[tilespmem:s13], [sflag:$0x1] =	stream.indirect_vreg.gather [hbm:s2], $0x80, v0, vm0, $0x38;
	[tilespmem:$0x10200] =	vst v63  }
0x2c: {  	s15 =	sshra.s32 s14, $0x2;
	s16 =	sadd.s32 $0x400, s13  }
0x2d: {  	[tilespmem:s16], [sflag:$0x1] =	stream.indirect_vreg.gather [hbm:s2], $0x80, v0, vm1, $0x38;
	[tilespmem:$0x10200] =	vst v63  }
0x2e: {  	s14 =	sadd.s32 $0x40, s14;
	v0 =	vld.msk [tilespmem:s15+$0x100 ss:$0x1], $0xffff  }
0x2f: {  	_ =	sdelay $0x3  }
0x30: {  	vm2 =	vgt.s32 v0, $0x0  }
0x31: {  	v0 =	vnsel vm2, $0x0, v0  }
0x32: {  	v0 =	vmin.u32 v0, $0x20CF  }
0x33: {  	v0 =	vshll.u32 v0, $0x4;
	_ =	sdelay $0x3  }
0x34: {  	s13 =	sadd.s32 $0x800, s13  }
0x35: {  	[tilespmem:s13], [sflag:$0x1] =	stream.indirect_vreg.gather [hbm:s2], $0x80, v0, vm0, $0x38;
	[tilespmem:$0x10200] =	vst v63  }
0x36: {  	s13 =	sadd.s32 $0x400, s13  }
0x37: {  	[tilespmem:s13], [sflag:$0x1] =	stream.indirect_vreg.gather [hbm:s2], $0x80, v0, vm1, $0x38;
	[tilespmem:$0x10200] =	vst v63  }
0x38: {  	s12 =	sshll.u32 s12, $0x4;
	s14 =	simm.s32 $0x80;
	_ =	swait.ge [sflag:s4], $0x8000  }
0x39: {  	s15 =	simm.s32 $0x8600;
	s12 =	sadd.s32 s12, s7;
	[sflag:s4] =	ssyncset.done $0x0  }
0x3a: {  	s16 =	sadd.s32 $0x0, s12;
	s13 =	simm.s32 $0x8200;
	[sflag:s4] =	ssyncadd.s32 $0xFFFF8000  }
.LBB2_7:
0x3b: {  	[hbm:s16] =	stream.linear.scatter [tilespmem:s13], [sflag:$0x3], $0x400, $0x38;
	[tilespmem:$0x10200] =	vst v63  }
0x3c: {  	s16 =	smov.u32 s14;
	s13 =	smov.u32 s15;
	p0 =	sne.s32 s14, $0xF80  }
.Ltmp5:
0x3d: {  	s14 =	sadd.s32 $0x80, s14;
	(pc) =	sbr.rel @p0 .LBB2_7-.Ltmp5, $2  }
0x3e: {  	_ =	sdelay $0x2  }
0x3f: {  	s15 =	sadd.s32 $0x400, s15;
	s16 =	sadd.s32 s16, s12  }
.Ltmp6:
0x40: {  	(pc) =	sbr.rel .LBB2_9-.Ltmp6, $2  }
0x41: {  	_ =	sdelay $0x2  }
0x42: {  	[hbm:s16] =	stream.linear.scatter [tilespmem:s13], [sflag:$0x3], $0x400, $0x38;
	[tilespmem:$0x10200] =	vst v63  }
.LBB2_2:
.Ltmp7:
0x43: {  	(pc) =	sbr.rel .LBB2_10-.Ltmp7, $4  }
0x44: {  	_ = 	snop  }
0x45: {  	s12 =	sshrl.u32 s11, $0x3  }
0x46: {  	s13 =	sand.u32 $0x7, s11;
	s12 =	sadd.s32 s3, s12  }
0x47: {  	[tilespmem:s9], [sflag:$0x2] =	stream.linear.gather [hbm4b:s12+s13], $0x100, $0x38;
	[tilespmem:$0x10200] =	vst v63  }
.LBB2_11:
0x48: {  	s2 =	simm.s32 $0x3  }
0x49: {  	_ =	swait.ge [sflag:s2], $0x8000  }
0x4a: {  	[sflag:s2] =	ssyncset.done $0x0  }
0x4b: {  	[sflag:s2] =	ssyncadd.s32 $0xFFFF8000  }
0x4c: {  	_ =	sfence.sel $0x180000  }
0x4d: {  	s3 =	simm.s32 $0x2;
	[bflag:$0x0] =	sbarrier.arrive $0xFFFF  }
0x4e: {  	[sflag:s3] =	ssyncpa.u1 $0x1  }
0x4f: {  	s31 =	simm.s32 $0x1;
	[sflag:s2] =	ssyncpa.u1 $0x1  }
0x50: {  	[sflag:s31] =	ssyncpa.u1 $0x1  }
0x51: {  	p0 =	sne.s32 s1, $0x0;
	_ =	strace $0x90000047  }
0x52: {  	s0 =	sadd.s32 @!p0 $0x100000, s0;
	[bflag:$0x2] =	sbarrier.arrive $0xFFFF  }
0x53: {  	[sflag:s0] =	ssyncadd.tile.s32 @!p0 $0x1;
	_ =	shalt  }
.Lfunc_end2:
_tile_overlayer_lowered:
.L_overlay_start_2:
0x54: {  	(tag) =	ssettag $0x2  }
0x55: {  	s0 =	rddreg [dreg:$0x0];
	s2 =	stileid.u32  }
0x56: {  	s1 =	rddreg [dreg:$0x1];
	p0 =	sne.s32 s2, $0x0  }
0x57: {  	s3 =	rddreg [dreg:$0x2];
	[bflag:$0x3] =	sbarrier.arrive $0xFFFF;
	s2 =	simm.s32 @!p0 $0x1C01  }
0x58: {  	[timem:s3], [sflag:s2] =	dma.local @!p0 [hbm:s0], s1  }
0x59: {  	s0 =	simm.s32 @!p0 $0x1  }
0x5a: {  	_ =	swait.ge @!p0 [sflag:s0], s1  }
0x5b: {  	s1 =	ssub.s32 @!p0 $0x0, s1;
	[sflag:s0] =	ssyncset.done @!p0 $0x0  }
0x5c: {  	[sflag:s0] =	ssyncadd.s32 @!p0 s1  }
0x5d: {  	[bflag:$0x3] =	sbarrier.arrive $0xFFFF  }
0x5e: {  	_ =	shalt  }

</sc_bundles>
